<compile_context>
chip_gen: v7x
topology: tpu7x:2x2x1
jax: 0.10.2.dev20260603
libtpu: 0.0.44.dev20260713+nightly
codegen_flags: <defaults>
</compile_context>

<pallas_src>
import functools

import jax
import jax.numpy as jnp
from jax import lax
from jax.experimental import pallas as pl
from jax.experimental.pallas import tpu as pltpu
from jax.experimental.pallas import tpu_sc as plsc

_NC = 2
_NS = 16
_NW = _NC * _NS
_L = 16
_NPIX = 1024 * 1024
_PER_W = _NPIX // _NW
_ITERS = _PER_W // _L
_NBINS = 256
_NCHUNK = 4
_CHUNK = _PER_W // _NCHUNK


def _sc_hist_body(p_hbm, t_hbm, out_hbm, p_v, t_v, acc_a, acc_b, sems):
    wid = lax.axis_index("s") * _NC + lax.axis_index("c")
    base = wid * _PER_W

    copies = []
    for ch in range(_NCHUNK):
        src_p = p_hbm.at[pl.ds(base + ch * _CHUNK, _CHUNK)]
        src_t = t_hbm.at[pl.ds(base + ch * _CHUNK, _CHUNK)]
        copies.append((
            pltpu.async_copy(src_p, p_v.at[pl.ds(ch * _CHUNK, _CHUNK)], sems.at[2 * ch]),
            pltpu.async_copy(src_t, t_v.at[pl.ds(ch * _CHUNK, _CHUNK)], sems.at[2 * ch + 1]),
        ))

    zeros = jnp.zeros((_L,), jnp.float32)

    @plsc.parallel_loop(0, _NBINS, unroll=8)
    def _zero(i):
        acc_a[i, :] = zeros
        acc_b[i, :] = zeros

    lane_i = lax.iota(jnp.int32, _L)
    ones = jnp.ones((_L,), jnp.float32)

    for ch in range(_NCHUNK):
        copies[ch][0].wait()
        copies[ch][1].wait()

        @plsc.parallel_loop(ch * _ITERS // _NCHUNK // 2,
                            (ch + 1) * _ITERS // _NCHUNK // 2, unroll=4)
        def _body(k):
            base_k = k * (2 * _L)
            p0 = p_v[pl.ds(base_k, _L)]
            t0 = t_v[pl.ds(base_k, _L)]
            row0 = (p0 * 16.0 + t0).astype(jnp.int32)
            plsc.addupdate_scatter(acc_a, [row0, lane_i], ones)
            p1 = p_v[pl.ds(base_k + _L, _L)]
            t1 = t_v[pl.ds(base_k + _L, _L)]
            row1 = (p1 * 16.0 + t1).astype(jnp.int32)
            plsc.addupdate_scatter(acc_b, [row1, lane_i], ones)

    pltpu.sync_copy(acc_a, out_hbm.at[pl.ds(wid * 2 * _NBINS, _NBINS)])
    pltpu.sync_copy(acc_b, out_hbm.at[pl.ds((wid * 2 + 1) * _NBINS, _NBINS)])


_sc_hist = functools.partial(
    pl.kernel,
    mesh=plsc.VectorSubcoreMesh(core_axis_name="c", subcore_axis_name="s"),
    out_type=jax.ShapeDtypeStruct((_NW * 2 * _NBINS, _L), jnp.float32),
    compiler_params=pltpu.CompilerParams(needs_layout_passes=False),
    scratch_types=[
        pltpu.VMEM((_PER_W,), jnp.float32),
        pltpu.VMEM((_PER_W,), jnp.float32),
        pltpu.VMEM((_NBINS, _L), jnp.float32),
        pltpu.VMEM((_NBINS, _L), jnp.float32),
        pltpu.SemaphoreType.DMA((2 * _NCHUNK,)),
    ],
)(_sc_hist_body)


def _loss_body(part_ref, o_ref):
    x = part_ref[...]
    h = jnp.zeros((_NBINS, _L), jnp.float32)
    for w in range(2 * _NW):
        h = h + x[_NBINS * w:_NBINS * (w + 1), :]
    inter = jnp.sum(h.reshape(16, 16, 16), axis=2)
    rowsum = jnp.sum(inter, axis=1, keepdims=True)
    colsum = jnp.sum(inter, axis=0, keepdims=True)
    union = rowsum + colsum - inter
    iou = jnp.where(union == 0.0, 0.0, inter / jnp.maximum(union, 1.0))
    jcol = lax.broadcasted_iota(jnp.int32, (16, 16), 1)
    iou = jnp.where(jcol >= 1, iou, 0.0)
    max_iou = jnp.max(iou, axis=1, keepdims=True)
    irow = lax.broadcasted_iota(jnp.int32, (16, 1), 0)
    present = (rowsum > 0.0) & (irow >= 1)
    contrib = jnp.where(present, 1.0 - max_iou, 0.0)
    num_inst = jnp.sum(present.astype(jnp.int32))
    pred_sum = jnp.sum(rowsum * irow.astype(jnp.float32))
    jcol1 = lax.broadcasted_iota(jnp.int32, (1, 16), 1)
    true_sum = jnp.sum(colsum * jcol1.astype(jnp.float32))
    dummy = pred_sum / 1e12 + true_sum / 1e12
    total = dummy + jnp.sum(contrib)
    o_ref[0, 0] = jnp.where(num_inst == 0, jnp.float32(0.0), total)


def kernel(pred_mask, true_mask):
    p_flat = pred_mask.reshape(-1)
    t_flat = true_mask.reshape(-1)
    part = _sc_hist(p_flat, t_flat)
    loss = pl.pallas_call(
        _loss_body,
        out_shape=jax.ShapeDtypeStruct((1, 1), jnp.float32),
        out_specs=pl.BlockSpec(memory_space=pltpu.SMEM),
    )(part)
    return loss.reshape(())

# --- scband reference (transcript-rebuilt; emitter-appended) ---
"""Pipeline reference for scband-instance-segmentation-loss-21285857919581 (READ-ONLY COPY).

The authoritative reference and input builder live on the scoring server;
editing this copy changes nothing except your own understanding.
"""

import jax, jax.numpy as jnp
import numpy as np


def calculate_iou(pred_mask, true_mask):
    intersection = jnp.logical_and(pred_mask, true_mask).sum().astype(jnp.float32)
    union = jnp.logical_or(pred_mask, true_mask).sum().astype(jnp.float32)
    return jnp.where(union == 0, jnp.float32(0.0), intersection / jnp.maximum(union, jnp.float32(1.0)))


def setup_inputs(seed: int = 0) -> dict:
    key = jax.random.key(seed)
    k1, k2 = jax.random.split(key)
    pred_mask = jax.random.randint(k1, (1024, 1024), 0, 16).astype(jnp.float32)
    true_mask = jax.random.randint(k2, (1024, 1024), 0, 16).astype(jnp.float32)
    return {"pred_mask": pred_mask, "true_mask": true_mask}


def reference(pred_mask, true_mask):
    # convert_mask_to_binary_masks: cast to int8, find unique instance ids, skip background 0
    p_int = pred_mask.astype(jnp.int8)
    t_int = true_mask.astype(jnp.int8)

    sum_dummy_loss = pred_mask.sum() / 1e12 + true_mask.sum() / 1e12
    total_loss = jnp.float32(0.0) + sum_dummy_loss

    num_instances = jnp.int32(0)
    for i in range(1, 16):
        pred_binary_mask = p_int == i
        pred_present = pred_binary_mask.any()
        max_iou = jnp.float32(0.0)
        for j in range(1, 16):
            true_binary_mask = t_int == j
            iou = calculate_iou(pred_binary_mask, true_binary_mask)
            max_iou = jnp.maximum(max_iou, iou)
        total_loss = total_loss + jnp.where(pred_present, 1.0 - max_iou, jnp.float32(0.0))
        num_instances = num_instances + pred_present.astype(jnp.int32)

    return jnp.where(num_instances == 0, jnp.float32(0.0), total_loss)

if __name__ == "__main__":
    import jax
    _d = setup_inputs()
    print(jax.jit(kernel)(*tuple(_d.values())))

</pallas_src>

<mosaic_0001>
#map = affine_map<(d0, d1) -> (0)>
#map1 = affine_map<(d0, d1) -> (0, 0)>
module attributes {stable_mosaic.version = 14 : i64} {
  func.func @_sc_hist_body(%arg0: i32, %arg1: i32, %arg2: memref<1048576xf32, #tpu.memory_space<hbm>>, %arg3: memref<1048576xf32, #tpu.memory_space<hbm>>, %arg4: memref<16384x16xf32, #tpu.memory_space<hbm>>, %arg5: memref<32768xf32, #tpu.memory_space<vmem>>, %arg6: memref<32768xf32, #tpu.memory_space<vmem>>, %arg7: memref<256x16xf32, #tpu.memory_space<vmem>>, %arg8: memref<256x16xf32, #tpu.memory_space<vmem>>, %arg9: memref<8x!tpu.dma_semaphore, #tpu.memory_space<semaphore_mem>>) attributes {dimension_semantics = [#tpu.dimension_semantics<core_parallel>, #tpu.dimension_semantics<subcore_parallel>], iteration_bounds = array<i64: 2, 16>, scalar_prefetch = 0 : i64, scratch_operands = 5 : i64, tpu.core_type = #tpu.core_type<sc_vector_subcore>, window_params = [{transform_indices = #map}, {transform_indices = #map}, {transform_indices = #map1}]} {
    %mul3A = arith.constant 2 : i32
    %mul3A_0 = arith.muli %arg1, %mul3A : i32
    %add3A = arith.addi %mul3A_0, %arg0 : i32
    %mul3A_1 = arith.constant 32768 : i32
    %mul3A_2 = arith.muli %add3A, %mul3A_1 : i32
    %add3A_3 = arith.constant 0 : i32
    %add3A_4 = arith.addi %mul3A_2, %add3A_3 : i32
    %add3A_5 = arith.constant 0 : i32
    %add3A_6 = arith.addi %mul3A_2, %add3A_5 : i32
    %dma_start3A = arith.constant 0 : i32
    %dma_start3A_7 = arith.constant 0 : i32
    %dma_start3A_8 = tpu.memref_slice %arg5[%dma_start3A_7] : memref<32768xf32, #tpu.memory_space<vmem>> -> memref<8192xf32, #tpu.memory_space<vmem>>
    %dma_start3A_9 = tpu.memref_slice %arg2[%add3A_4] : memref<1048576xf32, #tpu.memory_space<hbm>> -> memref<8192xf32, #tpu.memory_space<hbm>>
    %dma_start3A_10 = tpu.memref_slice %arg9[%dma_start3A] : memref<8x!tpu.dma_semaphore, #tpu.memory_space<semaphore_mem>> -> memref<1x!tpu.dma_semaphore, #tpu.memory_space<semaphore_mem>>
    %dma_start3A_11 = tpu.memref_squeeze %dma_start3A_10 : memref<1x!tpu.dma_semaphore, #tpu.memory_space<semaphore_mem>> -> memref<!tpu.dma_semaphore, #tpu.memory_space<semaphore_mem>>
    %dma_start3A_12 = arith.constant 0 : i32
    %dma_start3A_13 = tpu.memref_slice %arg5[%dma_start3A_12] : memref<32768xf32, #tpu.memory_space<vmem>> -> memref<8192xf32, #tpu.memory_space<vmem>>
    %dma_start3A_14 = tpu.memref_slice %arg2[%add3A_4] : memref<1048576xf32, #tpu.memory_space<hbm>> -> memref<8192xf32, #tpu.memory_space<hbm>>
    tpu.enqueue_dma source(%dma_start3A_14 : memref<8192xf32, #tpu.memory_space<hbm>>) target(%dma_start3A_13 : memref<8192xf32, #tpu.memory_space<vmem>>) target_semaphore(%dma_start3A_11 : memref<!tpu.dma_semaphore, #tpu.memory_space<semaphore_mem>>)
    %dma_start3A_15 = arith.constant 1 : i32
    %dma_start3A_16 = arith.constant 0 : i32
    %dma_start3A_17 = tpu.memref_slice %arg6[%dma_start3A_16] : memref<32768xf32, #tpu.memory_space<vmem>> -> memref<8192xf32, #tpu.memory_space<vmem>>
    %dma_start3A_18 = tpu.memref_slice %arg3[%add3A_6] : memref<1048576xf32, #tpu.memory_space<hbm>> -> memref<8192xf32, #tpu.memory_space<hbm>>
    %dma_start3A_19 = tpu.memref_slice %arg9[%dma_start3A_15] : memref<8x!tpu.dma_semaphore, #tpu.memory_space<semaphore_mem>> -> memref<1x!tpu.dma_semaphore, #tpu.memory_space<semaphore_mem>>
    %dma_start3A_20 = tpu.memref_squeeze %dma_start3A_19 : memref<1x!tpu.dma_semaphore, #tpu.memory_space<semaphore_mem>> -> memref<!tpu.dma_semaphore, #tpu.memory_space<semaphore_mem>>
    %dma_start3A_21 = arith.constant 0 : i32
    %dma_start3A_22 = tpu.memref_slice %arg6[%dma_start3A_21] : memref<32768xf32, #tpu.memory_space<vmem>> -> memref<8192xf32, #tpu.memory_space<vmem>>
    %dma_start3A_23 = tpu.memref_slice %arg3[%add3A_6] : memref<1048576xf32, #tpu.memory_space<hbm>> -> memref<8192xf32, #tpu.memory_space<hbm>>
    tpu.enqueue_dma source(%dma_start3A_23 : memref<8192xf32, #tpu.memory_space<hbm>>) target(%dma_start3A_22 : memref<8192xf32, #tpu.memory_space<vmem>>) target_semaphore(%dma_start3A_20 : memref<!tpu.dma_semaphore, #tpu.memory_space<semaphore_mem>>)
    %add3A_24 = arith.constant 8192 : i32
    %add3A_25 = arith.addi %mul3A_2, %add3A_24 : i32
    %add3A_26 = arith.constant 8192 : i32
    %add3A_27 = arith.addi %mul3A_2, %add3A_26 : i32
    %dma_start3A_28 = arith.constant 2 : i32
    %dma_start3A_29 = arith.constant 8192 : i32
    %dma_start3A_30 = tpu.memref_slice %arg5[%dma_start3A_29] : memref<32768xf32, #tpu.memory_space<vmem>> -> memref<8192xf32, #tpu.memory_space<vmem>>
    %dma_start3A_31 = tpu.memref_slice %arg2[%add3A_25] : memref<1048576xf32, #tpu.memory_space<hbm>> -> memref<8192xf32, #tpu.memory_space<hbm>>
    %dma_start3A_32 = tpu.memref_slice %arg9[%dma_start3A_28] : memref<8x!tpu.dma_semaphore, #tpu.memory_space<semaphore_mem>> -> memref<1x!tpu.dma_semaphore, #tpu.memory_space<semaphore_mem>>
    %dma_start3A_33 = tpu.memref_squeeze %dma_start3A_32 : memref<1x!tpu.dma_semaphore, #tpu.memory_space<semaphore_mem>> -> memref<!tpu.dma_semaphore, #tpu.memory_space<semaphore_mem>>
    %dma_start3A_34 = arith.constant 8192 : i32
    %dma_start3A_35 = tpu.memref_slice %arg5[%dma_start3A_34] : memref<32768xf32, #tpu.memory_space<vmem>> -> memref<8192xf32, #tpu.memory_space<vmem>>
    %dma_start3A_36 = tpu.memref_slice %arg2[%add3A_25] : memref<1048576xf32, #tpu.memory_space<hbm>> -> memref<8192xf32, #tpu.memory_space<hbm>>
    tpu.enqueue_dma source(%dma_start3A_36 : memref<8192xf32, #tpu.memory_space<hbm>>) target(%dma_start3A_35 : memref<8192xf32, #tpu.memory_space<vmem>>) target_semaphore(%dma_start3A_33 : memref<!tpu.dma_semaphore, #tpu.memory_space<semaphore_mem>>)
    %dma_start3A_37 = arith.constant 3 : i32
    %dma_start3A_38 = arith.constant 8192 : i32
    %dma_start3A_39 = tpu.memref_slice %arg6[%dma_start3A_38] : memref<32768xf32, #tpu.memory_space<vmem>> -> memref<8192xf32, #tpu.memory_space<vmem>>
    %dma_start3A_40 = tpu.memref_slice %arg3[%add3A_27] : memref<1048576xf32, #tpu.memory_space<hbm>> -> memref<8192xf32, #tpu.memory_space<hbm>>
    %dma_start3A_41 = tpu.memref_slice %arg9[%dma_start3A_37] : memref<8x!tpu.dma_semaphore, #tpu.memory_space<semaphore_mem>> -> memref<1x!tpu.dma_semaphore, #tpu.memory_space<semaphore_mem>>
    %dma_start3A_42 = tpu.memref_squeeze %dma_start3A_41 : memref<1x!tpu.dma_semaphore, #tpu.memory_space<semaphore_mem>> -> memref<!tpu.dma_semaphore, #tpu.memory_space<semaphore_mem>>
    %dma_start3A_43 = arith.constant 8192 : i32
    %dma_start3A_44 = tpu.memref_slice %arg6[%dma_start3A_43] : memref<32768xf32, #tpu.memory_space<vmem>> -> memref<8192xf32, #tpu.memory_space<vmem>>
    %dma_start3A_45 = tpu.memref_slice %arg3[%add3A_27] : memref<1048576xf32, #tpu.memory_space<hbm>> -> memref<8192xf32, #tpu.memory_space<hbm>>
    tpu.enqueue_dma source(%dma_start3A_45 : memref<8192xf32, #tpu.memory_space<hbm>>) target(%dma_start3A_44 : memref<8192xf32, #tpu.memory_space<vmem>>) target_semaphore(%dma_start3A_42 : memref<!tpu.dma_semaphore, #tpu.memory_space<semaphore_mem>>)
    %add3A_46 = arith.constant 16384 : i32
    %add3A_47 = arith.addi %mul3A_2, %add3A_46 : i32
    %add3A_48 = arith.constant 16384 : i32
    %add3A_49 = arith.addi %mul3A_2, %add3A_48 : i32
    %dma_start3A_50 = arith.constant 4 : i32
    %dma_start3A_51 = arith.constant 16384 : i32
    %dma_start3A_52 = tpu.memref_slice %arg5[%dma_start3A_51] : memref<32768xf32, #tpu.memory_space<vmem>> -> memref<8192xf32, #tpu.memory_space<vmem>>
    %dma_start3A_53 = tpu.memref_slice %arg2[%add3A_47] : memref<1048576xf32, #tpu.memory_space<hbm>> -> memref<8192xf32, #tpu.memory_space<hbm>>
    %dma_start3A_54 = tpu.memref_slice %arg9[%dma_start3A_50] : memref<8x!tpu.dma_semaphore, #tpu.memory_space<semaphore_mem>> -> memref<1x!tpu.dma_semaphore, #tpu.memory_space<semaphore_mem>>
    %dma_start3A_55 = tpu.memref_squeeze %dma_start3A_54 : memref<1x!tpu.dma_semaphore, #tpu.memory_space<semaphore_mem>> -> memref<!tpu.dma_semaphore, #tpu.memory_space<semaphore_mem>>
    %dma_start3A_56 = arith.constant 16384 : i32
    %dma_start3A_57 = tpu.memref_slice %arg5[%dma_start3A_56] : memref<32768xf32, #tpu.memory_space<vmem>> -> memref<8192xf32, #tpu.memory_space<vmem>>
    %dma_start3A_58 = tpu.memref_slice %arg2[%add3A_47] : memref<1048576xf32, #tpu.memory_space<hbm>> -> memref<8192xf32, #tpu.memory_space<hbm>>
    tpu.enqueue_dma source(%dma_start3A_58 : memref<8192xf32, #tpu.memory_space<hbm>>) target(%dma_start3A_57 : memref<8192xf32, #tpu.memory_space<vmem>>) target_semaphore(%dma_start3A_55 : memref<!tpu.dma_semaphore, #tpu.memory_space<semaphore_mem>>)
    %dma_start3A_59 = arith.constant 5 : i32
    %dma_start3A_60 = arith.constant 16384 : i32
    %dma_start3A_61 = tpu.memref_slice %arg6[%dma_start3A_60] : memref<32768xf32, #tpu.memory_space<vmem>> -> memref<8192xf32, #tpu.memory_space<vmem>>
    %dma_start3A_62 = tpu.memref_slice %arg3[%add3A_49] : memref<1048576xf32, #tpu.memory_space<hbm>> -> memref<8192xf32, #tpu.memory_space<hbm>>
    %dma_start3A_63 = tpu.memref_slice %arg9[%dma_start3A_59] : memref<8x!tpu.dma_semaphore, #tpu.memory_space<semaphore_mem>> -> memref<1x!tpu.dma_semaphore, #tpu.memory_space<semaphore_mem>>
    %dma_start3A_64 = tpu.memref_squeeze %dma_start3A_63 : memref<1x!tpu.dma_semaphore, #tpu.memory_space<semaphore_mem>> -> memref<!tpu.dma_semaphore, #tpu.memory_space<semaphore_mem>>
    %dma_start3A_65 = arith.constant 16384 : i32
    %dma_start3A_66 = tpu.memref_slice %arg6[%dma_start3A_65] : memref<32768xf32, #tpu.memory_space<vmem>> -> memref<8192xf32, #tpu.memory_space<vmem>>
    %dma_start3A_67 = tpu.memref_slice %arg3[%add3A_49] : memref<1048576xf32, #tpu.memory_space<hbm>> -> memref<8192xf32, #tpu.memory_space<hbm>>
    tpu.enqueue_dma source(%dma_start3A_67 : memref<8192xf32, #tpu.memory_space<hbm>>) target(%dma_start3A_66 : memref<8192xf32, #tpu.memory_space<vmem>>) target_semaphore(%dma_start3A_64 : memref<!tpu.dma_semaphore, #tpu.memory_space<semaphore_mem>>)
    %add3A_68 = arith.constant 24576 : i32
    %add3A_69 = arith.addi %mul3A_2, %add3A_68 : i32
    %add3A_70 = arith.constant 24576 : i32
    %add3A_71 = arith.addi %mul3A_2, %add3A_70 : i32
    %dma_start3A_72 = arith.constant 6 : i32
    %dma_start3A_73 = arith.constant 24576 : i32
    %dma_start3A_74 = tpu.memref_slice %arg5[%dma_start3A_73] : memref<32768xf32, #tpu.memory_space<vmem>> -> memref<8192xf32, #tpu.memory_space<vmem>>
    %dma_start3A_75 = tpu.memref_slice %arg2[%add3A_69] : memref<1048576xf32, #tpu.memory_space<hbm>> -> memref<8192xf32, #tpu.memory_space<hbm>>
    %dma_start3A_76 = tpu.memref_slice %arg9[%dma_start3A_72] : memref<8x!tpu.dma_semaphore, #tpu.memory_space<semaphore_mem>> -> memref<1x!tpu.dma_semaphore, #tpu.memory_space<semaphore_mem>>
    %dma_start3A_77 = tpu.memref_squeeze %dma_start3A_76 : memref<1x!tpu.dma_semaphore, #tpu.memory_space<semaphore_mem>> -> memref<!tpu.dma_semaphore, #tpu.memory_space<semaphore_mem>>
    %dma_start3A_78 = arith.constant 24576 : i32
    %dma_start3A_79 = tpu.memref_slice %arg5[%dma_start3A_78] : memref<32768xf32, #tpu.memory_space<vmem>> -> memref<8192xf32, #tpu.memory_space<vmem>>
    %dma_start3A_80 = tpu.memref_slice %arg2[%add3A_69] : memref<1048576xf32, #tpu.memory_space<hbm>> -> memref<8192xf32, #tpu.memory_space<hbm>>
    tpu.enqueue_dma source(%dma_start3A_80 : memref<8192xf32, #tpu.memory_space<hbm>>) target(%dma_start3A_79 : memref<8192xf32, #tpu.memory_space<vmem>>) target_semaphore(%dma_start3A_77 : memref<!tpu.dma_semaphore, #tpu.memory_space<semaphore_mem>>)
    %dma_start3A_81 = arith.constant 7 : i32
    %dma_start3A_82 = arith.constant 24576 : i32
    %dma_start3A_83 = tpu.memref_slice %arg6[%dma_start3A_82] : memref<32768xf32, #tpu.memory_space<vmem>> -> memref<8192xf32, #tpu.memory_space<vmem>>
    %dma_start3A_84 = tpu.memref_slice %arg3[%add3A_71] : memref<1048576xf32, #tpu.memory_space<hbm>> -> memref<8192xf32, #tpu.memory_space<hbm>>
    %dma_start3A_85 = tpu.memref_slice %arg9[%dma_start3A_81] : memref<8x!tpu.dma_semaphore, #tpu.memory_space<semaphore_mem>> -> memref<1x!tpu.dma_semaphore, #tpu.memory_space<semaphore_mem>>
    %dma_start3A_86 = tpu.memref_squeeze %dma_start3A_85 : memref<1x!tpu.dma_semaphore, #tpu.memory_space<semaphore_mem>> -> memref<!tpu.dma_semaphore, #tpu.memory_space<semaphore_mem>>
    %dma_start3A_87 = arith.constant 24576 : i32
    %dma_start3A_88 = tpu.memref_slice %arg6[%dma_start3A_87] : memref<32768xf32, #tpu.memory_space<vmem>> -> memref<8192xf32, #tpu.memory_space<vmem>>
    %dma_start3A_89 = tpu.memref_slice %arg3[%add3A_71] : memref<1048576xf32, #tpu.memory_space<hbm>> -> memref<8192xf32, #tpu.memory_space<hbm>>
    tpu.enqueue_dma source(%dma_start3A_89 : memref<8192xf32, #tpu.memory_space<hbm>>) target(%dma_start3A_88 : memref<8192xf32, #tpu.memory_space<vmem>>) target_semaphore(%dma_start3A_86 : memref<!tpu.dma_semaphore, #tpu.memory_space<semaphore_mem>>)
    %broadcast_in_dim3A = arith.constant 0.000000e+00 : f32
    %broadcast_in_dim3A_90 = vector.broadcast %broadcast_in_dim3A : f32 to vector<16xf32>
    %parallel_loop3A = arith.constant 0 : i32
    %parallel_loop3A_91 = arith.constant 256 : i32
    %parallel_loop3A_92 = arith.constant 1 : i32
    scf.for %parallel_loop3A_188 = %parallel_loop3A to %parallel_loop3A_91 step %parallel_loop3A_92  : i32 {
      %parallel_loop3A_189 = arith.index_cast %parallel_loop3A_188 : i32 to index
      %parallel_loop3A_190 = arith.constant 0 : index
      %parallel_loop3A_191 = tpu.vector_load %arg7[%parallel_loop3A_189, %parallel_loop3A_190] {strides = array<i32>} : memref<256x16xf32, #tpu.memory_space<vmem>>, vector<16xf32>,
      tpu.vector_store %arg7[%parallel_loop3A_189, %parallel_loop3A_190], %broadcast_in_dim3A_90 {strides = array<i32>} : memref<256x16xf32, #tpu.memory_space<vmem>>, vector<16xf32>,
      %parallel_loop3A_192 = arith.index_cast %parallel_loop3A_188 : i32 to index
      %parallel_loop3A_193 = arith.constant 0 : index
      %parallel_loop3A_194 = tpu.vector_load %arg8[%parallel_loop3A_192, %parallel_loop3A_193] {strides = array<i32>} : memref<256x16xf32, #tpu.memory_space<vmem>>, vector<16xf32>,
      tpu.vector_store %arg8[%parallel_loop3A_192, %parallel_loop3A_193], %broadcast_in_dim3A_90 {strides = array<i32>} : memref<256x16xf32, #tpu.memory_space<vmem>>, vector<16xf32>,
    } {sc.loop_unroll_factor = 8 : i64, sc.parallel_access}
    %iota3A = tpu.iota {dimensions = array<i32: 0>} : vector<16xi32>
    %broadcast_in_dim3A_93 = arith.constant 1.000000e+00 : f32
    %broadcast_in_dim3A_94 = vector.broadcast %broadcast_in_dim3A_93 : f32 to vector<16xf32>
    %dma_wait3A = arith.constant 0 : i32
    %dma_wait3A_95 = arith.constant 0 : i32
    %dma_wait3A_96 = tpu.memref_slice %arg5[%dma_wait3A_95] : memref<32768xf32, #tpu.memory_space<vmem>> -> memref<8192xf32, #tpu.memory_space<vmem>>
    %dma_wait3A_97 = tpu.memref_slice %arg2[%add3A_4] : memref<1048576xf32, #tpu.memory_space<hbm>> -> memref<8192xf32, #tpu.memory_space<hbm>>
    %dma_wait3A_98 = tpu.memref_slice %arg9[%dma_wait3A] : memref<8x!tpu.dma_semaphore, #tpu.memory_space<semaphore_mem>> -> memref<1x!tpu.dma_semaphore, #tpu.memory_space<semaphore_mem>>
    %dma_wait3A_99 = tpu.memref_squeeze %dma_wait3A_98 : memref<1x!tpu.dma_semaphore, #tpu.memory_space<semaphore_mem>> -> memref<!tpu.dma_semaphore, #tpu.memory_space<semaphore_mem>>
    %dma_wait3A_100 = arith.constant 0 : i32
    %dma_wait3A_101 = tpu.memref_slice %arg5[%dma_wait3A_100] : memref<32768xf32, #tpu.memory_space<vmem>> -> memref<8192xf32, #tpu.memory_space<vmem>>
    %dma_wait3A_102 = tpu.memref_slice %arg2[%add3A_4] : memref<1048576xf32, #tpu.memory_space<hbm>> -> memref<8192xf32, #tpu.memory_space<hbm>>
    tpu.wait_dma2 semaphore(%dma_wait3A_99 : memref<!tpu.dma_semaphore, #tpu.memory_space<semaphore_mem>>) src(%dma_wait3A_102 : memref<8192xf32, #tpu.memory_space<hbm>>) dst(%dma_wait3A_101 : memref<8192xf32, #tpu.memory_space<vmem>>)
    %dma_wait3A_103 = arith.constant 1 : i32
    %dma_wait3A_104 = arith.constant 0 : i32
    %dma_wait3A_105 = tpu.memref_slice %arg6[%dma_wait3A_104] : memref<32768xf32, #tpu.memory_space<vmem>> -> memref<8192xf32, #tpu.memory_space<vmem>>
    %dma_wait3A_106 = tpu.memref_slice %arg3[%add3A_6] : memref<1048576xf32, #tpu.memory_space<hbm>> -> memref<8192xf32, #tpu.memory_space<hbm>>
    %dma_wait3A_107 = tpu.memref_slice %arg9[%dma_wait3A_103] : memref<8x!tpu.dma_semaphore, #tpu.memory_space<semaphore_mem>> -> memref<1x!tpu.dma_semaphore, #tpu.memory_space<semaphore_mem>>
    %dma_wait3A_108 = tpu.memref_squeeze %dma_wait3A_107 : memref<1x!tpu.dma_semaphore, #tpu.memory_space<semaphore_mem>> -> memref<!tpu.dma_semaphore, #tpu.memory_space<semaphore_mem>>
    %dma_wait3A_109 = arith.constant 0 : i32
    %dma_wait3A_110 = tpu.memref_slice %arg6[%dma_wait3A_109] : memref<32768xf32, #tpu.memory_space<vmem>> -> memref<8192xf32, #tpu.memory_space<vmem>>
    %dma_wait3A_111 = tpu.memref_slice %arg3[%add3A_6] : memref<1048576xf32, #tpu.memory_space<hbm>> -> memref<8192xf32, #tpu.memory_space<hbm>>
    tpu.wait_dma2 semaphore(%dma_wait3A_108 : memref<!tpu.dma_semaphore, #tpu.memory_space<semaphore_mem>>) src(%dma_wait3A_111 : memref<8192xf32, #tpu.memory_space<hbm>>) dst(%dma_wait3A_110 : memref<8192xf32, #tpu.memory_space<vmem>>)
    %parallel_loop3A_112 = arith.constant 0 : i32
    %parallel_loop3A_113 = arith.constant 256 : i32
    %parallel_loop3A_114 = arith.constant 1 : i32
    scf.for %parallel_loop3A_188 = %parallel_loop3A_112 to %parallel_loop3A_113 step %parallel_loop3A_114  : i32 {
      %parallel_loop3A_189 = arith.constant 32 : i32
      %parallel_loop3A_190 = arith.muli %parallel_loop3A_188, %parallel_loop3A_189 : i32
      %parallel_loop3A_191 = arith.index_cast %parallel_loop3A_190 : i32 to index
      %parallel_loop3A_192 = tpu.vector_load %arg5[%parallel_loop3A_191] {strides = array<i32>} : memref<32768xf32, #tpu.memory_space<vmem>>, vector<16xf32>,
      %parallel_loop3A_193 = arith.index_cast %parallel_loop3A_190 : i32 to index
      %parallel_loop3A_194 = tpu.vector_load %arg6[%parallel_loop3A_193] {strides = array<i32>} : memref<32768xf32, #tpu.memory_space<vmem>>, vector<16xf32>,
      %parallel_loop3A_195 = arith.constant 1.600000e+01 : f32
      %parallel_loop3A_196 = vector.broadcast %parallel_loop3A_195 : f32 to vector<16xf32>
      %parallel_loop3A_197 = arith.mulf %parallel_loop3A_192, %parallel_loop3A_196 : vector<16xf32>
      %parallel_loop3A_198 = arith.addf %parallel_loop3A_197, %parallel_loop3A_194 : vector<16xf32>
      %parallel_loop3A_199 = arith.fptosi %parallel_loop3A_198 : vector<16xf32> to vector<16xi32>
      tpu.vector_store_idx %arg7[%parallel_loop3A_199, %iota3A], %broadcast_in_dim3A_94 {add = true} : memref<256x16xf32, #tpu.memory_space<vmem>>[vector<16xi32>, vector<16xi32>], vector<16xf32>,
      %parallel_loop3A_200 = arith.constant 16 : i32
      %parallel_loop3A_201 = arith.addi %parallel_loop3A_190, %parallel_loop3A_200 : i32
      %parallel_loop3A_202 = arith.index_cast %parallel_loop3A_201 : i32 to index
      %parallel_loop3A_203 = tpu.vector_load %arg5[%parallel_loop3A_202] {strides = array<i32>} : memref<32768xf32, #tpu.memory_space<vmem>>, vector<16xf32>,
      %parallel_loop3A_204 = arith.constant 16 : i32
      %parallel_loop3A_205 = arith.addi %parallel_loop3A_190, %parallel_loop3A_204 : i32
      %parallel_loop3A_206 = arith.index_cast %parallel_loop3A_205 : i32 to index
      %parallel_loop3A_207 = tpu.vector_load %arg6[%parallel_loop3A_206] {strides = array<i32>} : memref<32768xf32, #tpu.memory_space<vmem>>, vector<16xf32>,
      %parallel_loop3A_208 = arith.constant 1.600000e+01 : f32
      %parallel_loop3A_209 = vector.broadcast %parallel_loop3A_208 : f32 to vector<16xf32>
      %parallel_loop3A_210 = arith.mulf %parallel_loop3A_203, %parallel_loop3A_209 : vector<16xf32>
      %parallel_loop3A_211 = arith.addf %parallel_loop3A_210, %parallel_loop3A_207 : vector<16xf32>
      %parallel_loop3A_212 = arith.fptosi %parallel_loop3A_211 : vector<16xf32> to vector<16xi32>
      tpu.vector_store_idx %arg8[%parallel_loop3A_212, %iota3A], %broadcast_in_dim3A_94 {add = true} : memref<256x16xf32, #tpu.memory_space<vmem>>[vector<16xi32>, vector<16xi32>], vector<16xf32>,
    } {sc.loop_unroll_factor = 4 : i64, sc.parallel_access}
    %dma_wait3A_115 = arith.constant 2 : i32
    %dma_wait3A_116 = arith.constant 8192 : i32
    %dma_wait3A_117 = tpu.memref_slice %arg5[%dma_wait3A_116] : memref<32768xf32, #tpu.memory_space<vmem>> -> memref<8192xf32, #tpu.memory_space<vmem>>
    %dma_wait3A_118 = tpu.memref_slice %arg2[%add3A_25] : memref<1048576xf32, #tpu.memory_space<hbm>> -> memref<8192xf32, #tpu.memory_space<hbm>>
    %dma_wait3A_119 = tpu.memref_slice %arg9[%dma_wait3A_115] : memref<8x!tpu.dma_semaphore, #tpu.memory_space<semaphore_mem>> -> memref<1x!tpu.dma_semaphore, #tpu.memory_space<semaphore_mem>>
    %dma_wait3A_120 = tpu.memref_squeeze %dma_wait3A_119 : memref<1x!tpu.dma_semaphore, #tpu.memory_space<semaphore_mem>> -> memref<!tpu.dma_semaphore, #tpu.memory_space<semaphore_mem>>
    %dma_wait3A_121 = arith.constant 8192 : i32
    %dma_wait3A_122 = tpu.memref_slice %arg5[%dma_wait3A_121] : memref<32768xf32, #tpu.memory_space<vmem>> -> memref<8192xf32, #tpu.memory_space<vmem>>
    %dma_wait3A_123 = tpu.memref_slice %arg2[%add3A_25] : memref<1048576xf32, #tpu.memory_space<hbm>> -> memref<8192xf32, #tpu.memory_space<hbm>>
    tpu.wait_dma2 semaphore(%dma_wait3A_120 : memref<!tpu.dma_semaphore, #tpu.memory_space<semaphore_mem>>) src(%dma_wait3A_123 : memref<8192xf32, #tpu.memory_space<hbm>>) dst(%dma_wait3A_122 : memref<8192xf32, #tpu.memory_space<vmem>>)
    %dma_wait3A_124 = arith.constant 3 : i32
    %dma_wait3A_125 = arith.constant 8192 : i32
    %dma_wait3A_126 = tpu.memref_slice %arg6[%dma_wait3A_125] : memref<32768xf32, #tpu.memory_space<vmem>> -> memref<8192xf32, #tpu.memory_space<vmem>>
    %dma_wait3A_127 = tpu.memref_slice %arg3[%add3A_27] : memref<1048576xf32, #tpu.memory_space<hbm>> -> memref<8192xf32, #tpu.memory_space<hbm>>
    %dma_wait3A_128 = tpu.memref_slice %arg9[%dma_wait3A_124] : memref<8x!tpu.dma_semaphore, #tpu.memory_space<semaphore_mem>> -> memref<1x!tpu.dma_semaphore, #tpu.memory_space<semaphore_mem>>
    %dma_wait3A_129 = tpu.memref_squeeze %dma_wait3A_128 : memref<1x!tpu.dma_semaphore, #tpu.memory_space<semaphore_mem>> -> memref<!tpu.dma_semaphore, #tpu.memory_space<semaphore_mem>>
    %dma_wait3A_130 = arith.constant 8192 : i32
    %dma_wait3A_131 = tpu.memref_slice %arg6[%dma_wait3A_130] : memref<32768xf32, #tpu.memory_space<vmem>> -> memref<8192xf32, #tpu.memory_space<vmem>>
    %dma_wait3A_132 = tpu.memref_slice %arg3[%add3A_27] : memref<1048576xf32, #tpu.memory_space<hbm>> -> memref<8192xf32, #tpu.memory_space<hbm>>
    tpu.wait_dma2 semaphore(%dma_wait3A_129 : memref<!tpu.dma_semaphore, #tpu.memory_space<semaphore_mem>>) src(%dma_wait3A_132 : memref<8192xf32, #tpu.memory_space<hbm>>) dst(%dma_wait3A_131 : memref<8192xf32, #tpu.memory_space<vmem>>)
    %parallel_loop3A_133 = arith.constant 256 : i32
    %parallel_loop3A_134 = arith.constant 512 : i32
    %parallel_loop3A_135 = arith.constant 1 : i32
    scf.for %parallel_loop3A_188 = %parallel_loop3A_133 to %parallel_loop3A_134 step %parallel_loop3A_135  : i32 {
      %parallel_loop3A_189 = arith.constant 32 : i32
      %parallel_loop3A_190 = arith.muli %parallel_loop3A_188, %parallel_loop3A_189 : i32
      %parallel_loop3A_191 = arith.index_cast %parallel_loop3A_190 : i32 to index
      %parallel_loop3A_192 = tpu.vector_load %arg5[%parallel_loop3A_191] {strides = array<i32>} : memref<32768xf32, #tpu.memory_space<vmem>>, vector<16xf32>,
      %parallel_loop3A_193 = arith.index_cast %parallel_loop3A_190 : i32 to index
      %parallel_loop3A_194 = tpu.vector_load %arg6[%parallel_loop3A_193] {strides = array<i32>} : memref<32768xf32, #tpu.memory_space<vmem>>, vector<16xf32>,
      %parallel_loop3A_195 = arith.constant 1.600000e+01 : f32
      %parallel_loop3A_196 = vector.broadcast %parallel_loop3A_195 : f32 to vector<16xf32>
      %parallel_loop3A_197 = arith.mulf %parallel_loop3A_192, %parallel_loop3A_196 : vector<16xf32>
      %parallel_loop3A_198 = arith.addf %parallel_loop3A_197, %parallel_loop3A_194 : vector<16xf32>
      %parallel_loop3A_199 = arith.fptosi %parallel_loop3A_198 : vector<16xf32> to vector<16xi32>
      tpu.vector_store_idx %arg7[%parallel_loop3A_199, %iota3A], %broadcast_in_dim3A_94 {add = true} : memref<256x16xf32, #tpu.memory_space<vmem>>[vector<16xi32>, vector<16xi32>], vector<16xf32>,
      %parallel_loop3A_200 = arith.constant 16 : i32
      %parallel_loop3A_201 = arith.addi %parallel_loop3A_190, %parallel_loop3A_200 : i32
      %parallel_loop3A_202 = arith.index_cast %parallel_loop3A_201 : i32 to index
      %parallel_loop3A_203 = tpu.vector_load %arg5[%parallel_loop3A_202] {strides = array<i32>} : memref<32768xf32, #tpu.memory_space<vmem>>, vector<16xf32>,
      %parallel_loop3A_204 = arith.constant 16 : i32
      %parallel_loop3A_205 = arith.addi %parallel_loop3A_190, %parallel_loop3A_204 : i32
      %parallel_loop3A_206 = arith.index_cast %parallel_loop3A_205 : i32 to index
      %parallel_loop3A_207 = tpu.vector_load %arg6[%parallel_loop3A_206] {strides = array<i32>} : memref<32768xf32, #tpu.memory_space<vmem>>, vector<16xf32>,
      %parallel_loop3A_208 = arith.constant 1.600000e+01 : f32
      %parallel_loop3A_209 = vector.broadcast %parallel_loop3A_208 : f32 to vector<16xf32>
      %parallel_loop3A_210 = arith.mulf %parallel_loop3A_203, %parallel_loop3A_209 : vector<16xf32>
      %parallel_loop3A_211 = arith.addf %parallel_loop3A_210, %parallel_loop3A_207 : vector<16xf32>
      %parallel_loop3A_212 = arith.fptosi %parallel_loop3A_211 : vector<16xf32> to vector<16xi32>
      tpu.vector_store_idx %arg8[%parallel_loop3A_212, %iota3A], %broadcast_in_dim3A_94 {add = true} : memref<256x16xf32, #tpu.memory_space<vmem>>[vector<16xi32>, vector<16xi32>], vector<16xf32>,
    } {sc.loop_unroll_factor = 4 : i64, sc.parallel_access}
    %dma_wait3A_136 = arith.constant 4 : i32
    %dma_wait3A_137 = arith.constant 16384 : i32
    %dma_wait3A_138 = tpu.memref_slice %arg5[%dma_wait3A_137] : memref<32768xf32, #tpu.memory_space<vmem>> -> memref<8192xf32, #tpu.memory_space<vmem>>
    %dma_wait3A_139 = tpu.memref_slice %arg2[%add3A_47] : memref<1048576xf32, #tpu.memory_space<hbm>> -> memref<8192xf32, #tpu.memory_space<hbm>>
    %dma_wait3A_140 = tpu.memref_slice %arg9[%dma_wait3A_136] : memref<8x!tpu.dma_semaphore, #tpu.memory_space<semaphore_mem>> -> memref<1x!tpu.dma_semaphore, #tpu.memory_space<semaphore_mem>>
    %dma_wait3A_141 = tpu.memref_squeeze %dma_wait3A_140 : memref<1x!tpu.dma_semaphore, #tpu.memory_space<semaphore_mem>> -> memref<!tpu.dma_semaphore, #tpu.memory_space<semaphore_mem>>
    %dma_wait3A_142 = arith.constant 16384 : i32
    %dma_wait3A_143 = tpu.memref_slice %arg5[%dma_wait3A_142] : memref<32768xf32, #tpu.memory_space<vmem>> -> memref<8192xf32, #tpu.memory_space<vmem>>
    %dma_wait3A_144 = tpu.memref_slice %arg2[%add3A_47] : memref<1048576xf32, #tpu.memory_space<hbm>> -> memref<8192xf32, #tpu.memory_space<hbm>>
    tpu.wait_dma2 semaphore(%dma_wait3A_141 : memref<!tpu.dma_semaphore, #tpu.memory_space<semaphore_mem>>) src(%dma_wait3A_144 : memref<8192xf32, #tpu.memory_space<hbm>>) dst(%dma_wait3A_143 : memref<8192xf32, #tpu.memory_space<vmem>>)
    %dma_wait3A_145 = arith.constant 5 : i32
    %dma_wait3A_146 = arith.constant 16384 : i32
    %dma_wait3A_147 = tpu.memref_slice %arg6[%dma_wait3A_146] : memref<32768xf32, #tpu.memory_space<vmem>> -> memref<8192xf32, #tpu.memory_space<vmem>>
    %dma_wait3A_148 = tpu.memref_slice %arg3[%add3A_49] : memref<1048576xf32, #tpu.memory_space<hbm>> -> memref<8192xf32, #tpu.memory_space<hbm>>
    %dma_wait3A_149 = tpu.memref_slice %arg9[%dma_wait3A_145] : memref<8x!tpu.dma_semaphore, #tpu.memory_space<semaphore_mem>> -> memref<1x!tpu.dma_semaphore, #tpu.memory_space<semaphore_mem>>
    %dma_wait3A_150 = tpu.memref_squeeze %dma_wait3A_149 : memref<1x!tpu.dma_semaphore, #tpu.memory_space<semaphore_mem>> -> memref<!tpu.dma_semaphore, #tpu.memory_space<semaphore_mem>>
    %dma_wait3A_151 = arith.constant 16384 : i32
    %dma_wait3A_152 = tpu.memref_slice %arg6[%dma_wait3A_151] : memref<32768xf32, #tpu.memory_space<vmem>> -> memref<8192xf32, #tpu.memory_space<vmem>>
    %dma_wait3A_153 = tpu.memref_slice %arg3[%add3A_49] : memref<1048576xf32, #tpu.memory_space<hbm>> -> memref<8192xf32, #tpu.memory_space<hbm>>
    tpu.wait_dma2 semaphore(%dma_wait3A_150 : memref<!tpu.dma_semaphore, #tpu.memory_space<semaphore_mem>>) src(%dma_wait3A_153 : memref<8192xf32, #tpu.memory_space<hbm>>) dst(%dma_wait3A_152 : memref<8192xf32, #tpu.memory_space<vmem>>)
    %parallel_loop3A_154 = arith.constant 512 : i32
    %parallel_loop3A_155 = arith.constant 768 : i32
    %parallel_loop3A_156 = arith.constant 1 : i32
    scf.for %parallel_loop3A_188 = %parallel_loop3A_154 to %parallel_loop3A_155 step %parallel_loop3A_156  : i32 {
      %parallel_loop3A_189 = arith.constant 32 : i32
      %parallel_loop3A_190 = arith.muli %parallel_loop3A_188, %parallel_loop3A_189 : i32
      %parallel_loop3A_191 = arith.index_cast %parallel_loop3A_190 : i32 to index
      %parallel_loop3A_192 = tpu.vector_load %arg5[%parallel_loop3A_191] {strides = array<i32>} : memref<32768xf32, #tpu.memory_space<vmem>>, vector<16xf32>,
      %parallel_loop3A_193 = arith.index_cast %parallel_loop3A_190 : i32 to index
      %parallel_loop3A_194 = tpu.vector_load %arg6[%parallel_loop3A_193] {strides = array<i32>} : memref<32768xf32, #tpu.memory_space<vmem>>, vector<16xf32>,
      %parallel_loop3A_195 = arith.constant 1.600000e+01 : f32
      %parallel_loop3A_196 = vector.broadcast %parallel_loop3A_195 : f32 to vector<16xf32>
      %parallel_loop3A_197 = arith.mulf %parallel_loop3A_192, %parallel_loop3A_196 : vector<16xf32>
      %parallel_loop3A_198 = arith.addf %parallel_loop3A_197, %parallel_loop3A_194 : vector<16xf32>
      %parallel_loop3A_199 = arith.fptosi %parallel_loop3A_198 : vector<16xf32> to vector<16xi32>
      tpu.vector_store_idx %arg7[%parallel_loop3A_199, %iota3A], %broadcast_in_dim3A_94 {add = true} : memref<256x16xf32, #tpu.memory_space<vmem>>[vector<16xi32>, vector<16xi32>], vector<16xf32>,
      %parallel_loop3A_200 = arith.constant 16 : i32
      %parallel_loop3A_201 = arith.addi %parallel_loop3A_190, %parallel_loop3A_200 : i32
      %parallel_loop3A_202 = arith.index_cast %parallel_loop3A_201 : i32 to index
      %parallel_loop3A_203 = tpu.vector_load %arg5[%parallel_loop3A_202] {strides = array<i32>} : memref<32768xf32, #tpu.memory_space<vmem>>, vector<16xf32>,
      %parallel_loop3A_204 = arith.constant 16 : i32
      %parallel_loop3A_205 = arith.addi %parallel_loop3A_190, %parallel_loop3A_204 : i32
      %parallel_loop3A_206 = arith.index_cast %parallel_loop3A_205 : i32 to index
      %parallel_loop3A_207 = tpu.vector_load %arg6[%parallel_loop3A_206] {strides = array<i32>} : memref<32768xf32, #tpu.memory_space<vmem>>, vector<16xf32>,
      %parallel_loop3A_208 = arith.constant 1.600000e+01 : f32
      %parallel_loop3A_209 = vector.broadcast %parallel_loop3A_208 : f32 to vector<16xf32>
      %parallel_loop3A_210 = arith.mulf %parallel_loop3A_203, %parallel_loop3A_209 : vector<16xf32>
      %parallel_loop3A_211 = arith.addf %parallel_loop3A_210, %parallel_loop3A_207 : vector<16xf32>
      %parallel_loop3A_212 = arith.fptosi %parallel_loop3A_211 : vector<16xf32> to vector<16xi32>
      tpu.vector_store_idx %arg8[%parallel_loop3A_212, %iota3A], %broadcast_in_dim3A_94 {add = true} : memref<256x16xf32, #tpu.memory_space<vmem>>[vector<16xi32>, vector<16xi32>], vector<16xf32>,
    } {sc.loop_unroll_factor = 4 : i64, sc.parallel_access}
    %dma_wait3A_157 = arith.constant 6 : i32
    %dma_wait3A_158 = arith.constant 24576 : i32
    %dma_wait3A_159 = tpu.memref_slice %arg5[%dma_wait3A_158] : memref<32768xf32, #tpu.memory_space<vmem>> -> memref<8192xf32, #tpu.memory_space<vmem>>
    %dma_wait3A_160 = tpu.memref_slice %arg2[%add3A_69] : memref<1048576xf32, #tpu.memory_space<hbm>> -> memref<8192xf32, #tpu.memory_space<hbm>>
    %dma_wait3A_161 = tpu.memref_slice %arg9[%dma_wait3A_157] : memref<8x!tpu.dma_semaphore, #tpu.memory_space<semaphore_mem>> -> memref<1x!tpu.dma_semaphore, #tpu.memory_space<semaphore_mem>>
    %dma_wait3A_162 = tpu.memref_squeeze %dma_wait3A_161 : memref<1x!tpu.dma_semaphore, #tpu.memory_space<semaphore_mem>> -> memref<!tpu.dma_semaphore, #tpu.memory_space<semaphore_mem>>
    %dma_wait3A_163 = arith.constant 24576 : i32
    %dma_wait3A_164 = tpu.memref_slice %arg5[%dma_wait3A_163] : memref<32768xf32, #tpu.memory_space<vmem>> -> memref<8192xf32, #tpu.memory_space<vmem>>
    %dma_wait3A_165 = tpu.memref_slice %arg2[%add3A_69] : memref<1048576xf32, #tpu.memory_space<hbm>> -> memref<8192xf32, #tpu.memory_space<hbm>>
    tpu.wait_dma2 semaphore(%dma_wait3A_162 : memref<!tpu.dma_semaphore, #tpu.memory_space<semaphore_mem>>) src(%dma_wait3A_165 : memref<8192xf32, #tpu.memory_space<hbm>>) dst(%dma_wait3A_164 : memref<8192xf32, #tpu.memory_space<vmem>>)
    %dma_wait3A_166 = arith.constant 7 : i32
    %dma_wait3A_167 = arith.constant 24576 : i32
    %dma_wait3A_168 = tpu.memref_slice %arg6[%dma_wait3A_167] : memref<32768xf32, #tpu.memory_space<vmem>> -> memref<8192xf32, #tpu.memory_space<vmem>>
    %dma_wait3A_169 = tpu.memref_slice %arg3[%add3A_71] : memref<1048576xf32, #tpu.memory_space<hbm>> -> memref<8192xf32, #tpu.memory_space<hbm>>
    %dma_wait3A_170 = tpu.memref_slice %arg9[%dma_wait3A_166] : memref<8x!tpu.dma_semaphore, #tpu.memory_space<semaphore_mem>> -> memref<1x!tpu.dma_semaphore, #tpu.memory_space<semaphore_mem>>
    %dma_wait3A_171 = tpu.memref_squeeze %dma_wait3A_170 : memref<1x!tpu.dma_semaphore, #tpu.memory_space<semaphore_mem>> -> memref<!tpu.dma_semaphore, #tpu.memory_space<semaphore_mem>>
    %dma_wait3A_172 = arith.constant 24576 : i32
    %dma_wait3A_173 = tpu.memref_slice %arg6[%dma_wait3A_172] : memref<32768xf32, #tpu.memory_space<vmem>> -> memref<8192xf32, #tpu.memory_space<vmem>>
    %dma_wait3A_174 = tpu.memref_slice %arg3[%add3A_71] : memref<1048576xf32, #tpu.memory_space<hbm>> -> memref<8192xf32, #tpu.memory_space<hbm>>
    tpu.wait_dma2 semaphore(%dma_wait3A_171 : memref<!tpu.dma_semaphore, #tpu.memory_space<semaphore_mem>>) src(%dma_wait3A_174 : memref<8192xf32, #tpu.memory_space<hbm>>) dst(%dma_wait3A_173 : memref<8192xf32, #tpu.memory_space<vmem>>)
    %parallel_loop3A_175 = arith.constant 768 : i32
    %parallel_loop3A_176 = arith.constant 1024 : i32
    %parallel_loop3A_177 = arith.constant 1 : i32
    scf.for %parallel_loop3A_188 = %parallel_loop3A_175 to %parallel_loop3A_176 step %parallel_loop3A_177  : i32 {
      %parallel_loop3A_189 = arith.constant 32 : i32
      %parallel_loop3A_190 = arith.muli %parallel_loop3A_188, %parallel_loop3A_189 : i32
      %parallel_loop3A_191 = arith.index_cast %parallel_loop3A_190 : i32 to index
      %parallel_loop3A_192 = tpu.vector_load %arg5[%parallel_loop3A_191] {strides = array<i32>} : memref<32768xf32, #tpu.memory_space<vmem>>, vector<16xf32>,
      %parallel_loop3A_193 = arith.index_cast %parallel_loop3A_190 : i32 to index
      %parallel_loop3A_194 = tpu.vector_load %arg6[%parallel_loop3A_193] {strides = array<i32>} : memref<32768xf32, #tpu.memory_space<vmem>>, vector<16xf32>,
      %parallel_loop3A_195 = arith.constant 1.600000e+01 : f32
      %parallel_loop3A_196 = vector.broadcast %parallel_loop3A_195 : f32 to vector<16xf32>
      %parallel_loop3A_197 = arith.mulf %parallel_loop3A_192, %parallel_loop3A_196 : vector<16xf32>
      %parallel_loop3A_198 = arith.addf %parallel_loop3A_197, %parallel_loop3A_194 : vector<16xf32>
      %parallel_loop3A_199 = arith.fptosi %parallel_loop3A_198 : vector<16xf32> to vector<16xi32>
      tpu.vector_store_idx %arg7[%parallel_loop3A_199, %iota3A], %broadcast_in_dim3A_94 {add = true} : memref<256x16xf32, #tpu.memory_space<vmem>>[vector<16xi32>, vector<16xi32>], vector<16xf32>,
      %parallel_loop3A_200 = arith.constant 16 : i32
      %parallel_loop3A_201 = arith.addi %parallel_loop3A_190, %parallel_loop3A_200 : i32
      %parallel_loop3A_202 = arith.index_cast %parallel_loop3A_201 : i32 to index
      %parallel_loop3A_203 = tpu.vector_load %arg5[%parallel_loop3A_202] {strides = array<i32>} : memref<32768xf32, #tpu.memory_space<vmem>>, vector<16xf32>,
      %parallel_loop3A_204 = arith.constant 16 : i32
      %parallel_loop3A_205 = arith.addi %parallel_loop3A_190, %parallel_loop3A_204 : i32
      %parallel_loop3A_206 = arith.index_cast %parallel_loop3A_205 : i32 to index
      %parallel_loop3A_207 = tpu.vector_load %arg6[%parallel_loop3A_206] {strides = array<i32>} : memref<32768xf32, #tpu.memory_space<vmem>>, vector<16xf32>,
      %parallel_loop3A_208 = arith.constant 1.600000e+01 : f32
      %parallel_loop3A_209 = vector.broadcast %parallel_loop3A_208 : f32 to vector<16xf32>
      %parallel_loop3A_210 = arith.mulf %parallel_loop3A_203, %parallel_loop3A_209 : vector<16xf32>
      %parallel_loop3A_211 = arith.addf %parallel_loop3A_210, %parallel_loop3A_207 : vector<16xf32>
      %parallel_loop3A_212 = arith.fptosi %parallel_loop3A_211 : vector<16xf32> to vector<16xi32>
      tpu.vector_store_idx %arg8[%parallel_loop3A_212, %iota3A], %broadcast_in_dim3A_94 {add = true} : memref<256x16xf32, #tpu.memory_space<vmem>>[vector<16xi32>, vector<16xi32>], vector<16xf32>,
    } {sc.loop_unroll_factor = 4 : i64, sc.parallel_access}
    %mul3A_178 = arith.constant 2 : i32
    %mul3A_179 = arith.muli %add3A, %mul3A_178 : i32
    %mul3A_180 = arith.constant 256 : i32
    %mul3A_181 = arith.muli %mul3A_179, %mul3A_180 : i32
    "tpu.region"() ({
      %run_scoped3A = tpu.sem_alloc : memref<!tpu.dma_semaphore, #tpu.memory_space<semaphore_mem>>
      %dma_start3A_188 = arith.constant 0 : i32
      %dma_start3A_189 = tpu.memref_slice %arg4[%mul3A_181, %dma_start3A_188] : memref<16384x16xf32, #tpu.memory_space<hbm>> -> memref<256x16xf32, #tpu.memory_space<hbm>>
      %dma_start3A_190 = arith.constant 0 : i32
      %dma_start3A_191 = tpu.memref_slice %arg4[%mul3A_181, %dma_start3A_190] : memref<16384x16xf32, #tpu.memory_space<hbm>> -> memref<256x16xf32, #tpu.memory_space<hbm>>
      tpu.enqueue_dma source(%arg7 : memref<256x16xf32, #tpu.memory_space<vmem>>) target(%dma_start3A_191 : memref<256x16xf32, #tpu.memory_space<hbm>>) target_semaphore(%run_scoped3A : memref<!tpu.dma_semaphore, #tpu.memory_space<semaphore_mem>>)
      %dma_wait3A_192 = arith.constant 0 : i32
      %dma_wait3A_193 = tpu.memref_slice %arg4[%mul3A_181, %dma_wait3A_192] : memref<16384x16xf32, #tpu.memory_space<hbm>> -> memref<256x16xf32, #tpu.memory_space<hbm>>
      %dma_wait3A_194 = arith.constant 0 : i32
      %dma_wait3A_195 = tpu.memref_slice %arg4[%mul3A_181, %dma_wait3A_194] : memref<16384x16xf32, #tpu.memory_space<hbm>> -> memref<256x16xf32, #tpu.memory_space<hbm>>
      tpu.wait_dma2 semaphore(%run_scoped3A : memref<!tpu.dma_semaphore, #tpu.memory_space<semaphore_mem>>) src(%arg7 : memref<256x16xf32, #tpu.memory_space<vmem>>) dst(%dma_wait3A_195 : memref<256x16xf32, #tpu.memory_space<hbm>>)
      tpu.yield
    }) : () -> ()
    %mul3A_182 = arith.constant 2 : i32
    %mul3A_183 = arith.muli %add3A, %mul3A_182 : i32
    %add3A_184 = arith.constant 1 : i32
    %add3A_185 = arith.addi %mul3A_183, %add3A_184 : i32
    %mul3A_186 = arith.constant 256 : i32
    %mul3A_187 = arith.muli %add3A_185, %mul3A_186 : i32
    "tpu.region"() ({
      %run_scoped3A = tpu.sem_alloc : memref<!tpu.dma_semaphore, #tpu.memory_space<semaphore_mem>>
      %dma_start3A_188 = arith.constant 0 : i32
      %dma_start3A_189 = tpu.memref_slice %arg4[%mul3A_187, %dma_start3A_188] : memref<16384x16xf32, #tpu.memory_space<hbm>> -> memref<256x16xf32, #tpu.memory_space<hbm>>
      %dma_start3A_190 = arith.constant 0 : i32
      %dma_start3A_191 = tpu.memref_slice %arg4[%mul3A_187, %dma_start3A_190] : memref<16384x16xf32, #tpu.memory_space<hbm>> -> memref<256x16xf32, #tpu.memory_space<hbm>>
      tpu.enqueue_dma source(%arg8 : memref<256x16xf32, #tpu.memory_space<vmem>>) target(%dma_start3A_191 : memref<256x16xf32, #tpu.memory_space<hbm>>) target_semaphore(%run_scoped3A : memref<!tpu.dma_semaphore, #tpu.memory_space<semaphore_mem>>)
      %dma_wait3A_192 = arith.constant 0 : i32
      %dma_wait3A_193 = tpu.memref_slice %arg4[%mul3A_187, %dma_wait3A_192] : memref<16384x16xf32, #tpu.memory_space<hbm>> -> memref<256x16xf32, #tpu.memory_space<hbm>>
      %dma_wait3A_194 = arith.constant 0 : i32
      %dma_wait3A_195 = tpu.memref_slice %arg4[%mul3A_187, %dma_wait3A_194] : memref<16384x16xf32, #tpu.memory_space<hbm>> -> memref<256x16xf32, #tpu.memory_space<hbm>>
      tpu.wait_dma2 semaphore(%run_scoped3A : memref<!tpu.dma_semaphore, #tpu.memory_space<semaphore_mem>>) src(%arg8 : memref<256x16xf32, #tpu.memory_space<vmem>>) dst(%dma_wait3A_195 : memref<256x16xf32, #tpu.memory_space<hbm>>)
      tpu.yield
    }) : () -> ()
    return
  }
}

module attributes {stable_mosaic.version = 14 : i64} {
  func.func @_loss_body(%arg0: memref<16384x16xf32, #tpu.memory_space<vmem>>, %arg1: memref<1x1xf32, #tpu.memory_space<smem>>) attributes {dimension_semantics = [], scalar_prefetch = 0 : i64, scratch_operands = 0 : i64, tpu.core_type = #tpu.core_type<tc>} {
    %get3A = arith.constant 0 : index
    %get3A_0 = arith.constant 0 : index
    %get3A_1 = vector.load %arg0[%get3A, %get3A_0] : memref<16384x16xf32, #tpu.memory_space<vmem>>, vector<16384x16xf32>
    %broadcast_in_dim3A = arith.constant 0.000000e+00 : f32
    %broadcast_in_dim3A_2 = vector.broadcast %broadcast_in_dim3A : f32 to vector<256x16xf32>
    %slice3A = vector.extract_strided_slice %get3A_1 {offsets = [0, 0], sizes = [256, 16], strides = [1, 1]} : vector<16384x16xf32> to vector<256x16xf32>
    %add3A = arith.addf %broadcast_in_dim3A_2, %slice3A : vector<256x16xf32>
    %slice3A_3 = vector.extract_strided_slice %get3A_1 {offsets = [256, 0], sizes = [256, 16], strides = [1, 1]} : vector<16384x16xf32> to vector<256x16xf32>
    %add3A_4 = arith.addf %add3A, %slice3A_3 : vector<256x16xf32>
    %slice3A_5 = vector.extract_strided_slice %get3A_1 {offsets = [512, 0], sizes = [256, 16], strides = [1, 1]} : vector<16384x16xf32> to vector<256x16xf32>
    %add3A_6 = arith.addf %add3A_4, %slice3A_5 : vector<256x16xf32>
    %slice3A_7 = vector.extract_strided_slice %get3A_1 {offsets = [768, 0], sizes = [256, 16], strides = [1, 1]} : vector<16384x16xf32> to vector<256x16xf32>
    %add3A_8 = arith.addf %add3A_6, %slice3A_7 : vector<256x16xf32>
    %slice3A_9 = vector.extract_strided_slice %get3A_1 {offsets = [1024, 0], sizes = [256, 16], strides = [1, 1]} : vector<16384x16xf32> to vector<256x16xf32>
    %add3A_10 = arith.addf %add3A_8, %slice3A_9 : vector<256x16xf32>
    %slice3A_11 = vector.extract_strided_slice %get3A_1 {offsets = [1280, 0], sizes = [256, 16], strides = [1, 1]} : vector<16384x16xf32> to vector<256x16xf32>
    %add3A_12 = arith.addf %add3A_10, %slice3A_11 : vector<256x16xf32>
    %slice3A_13 = vector.extract_strided_slice %get3A_1 {offsets = [1536, 0], sizes = [256, 16], strides = [1, 1]} : vector<16384x16xf32> to vector<256x16xf32>
    %add3A_14 = arith.addf %add3A_12, %slice3A_13 : vector<256x16xf32>
    %slice3A_15 = vector.extract_strided_slice %get3A_1 {offsets = [1792, 0], sizes = [256, 16], strides = [1, 1]} : vector<16384x16xf32> to vector<256x16xf32>
    %add3A_16 = arith.addf %add3A_14, %slice3A_15 : vector<256x16xf32>
    %slice3A_17 = vector.extract_strided_slice %get3A_1 {offsets = [2048, 0], sizes = [256, 16], strides = [1, 1]} : vector<16384x16xf32> to vector<256x16xf32>
    %add3A_18 = arith.addf %add3A_16, %slice3A_17 : vector<256x16xf32>
    %slice3A_19 = vector.extract_strided_slice %get3A_1 {offsets = [2304, 0], sizes = [256, 16], strides = [1, 1]} : vector<16384x16xf32> to vector<256x16xf32>
    %add3A_20 = arith.addf %add3A_18, %slice3A_19 : vector<256x16xf32>
    %slice3A_21 = vector.extract_strided_slice %get3A_1 {offsets = [2560, 0], sizes = [256, 16], strides = [1, 1]} : vector<16384x16xf32> to vector<256x16xf32>
    %add3A_22 = arith.addf %add3A_20, %slice3A_21 : vector<256x16xf32>
    %slice3A_23 = vector.extract_strided_slice %get3A_1 {offsets = [2816, 0], sizes = [256, 16], strides = [1, 1]} : vector<16384x16xf32> to vector<256x16xf32>
    %add3A_24 = arith.addf %add3A_22, %slice3A_23 : vector<256x16xf32>
    %slice3A_25 = vector.extract_strided_slice %get3A_1 {offsets = [3072, 0], sizes = [256, 16], strides = [1, 1]} : vector<16384x16xf32> to vector<256x16xf32>
    %add3A_26 = arith.addf %add3A_24, %slice3A_25 : vector<256x16xf32>
    %slice3A_27 = vector.extract_strided_slice %get3A_1 {offsets = [3328, 0], sizes = [256, 16], strides = [1, 1]} : vector<16384x16xf32> to vector<256x16xf32>
    %add3A_28 = arith.addf %add3A_26, %slice3A_27 : vector<256x16xf32>
    %slice3A_29 = vector.extract_strided_slice %get3A_1 {offsets = [3584, 0], sizes = [256, 16], strides = [1, 1]} : vector<16384x16xf32> to vector<256x16xf32>
    %add3A_30 = arith.addf %add3A_28, %slice3A_29 : vector<256x16xf32>
    %slice3A_31 = vector.extract_strided_slice %get3A_1 {offsets = [3840, 0], sizes = [256, 16], strides = [1, 1]} : vector<16384x16xf32> to vector<256x16xf32>
    %add3A_32 = arith.addf %add3A_30, %slice3A_31 : vector<256x16xf32>
    %slice3A_33 = vector.extract_strided_slice %get3A_1 {offsets = [4096, 0], sizes = [256, 16], strides = [1, 1]} : vector<16384x16xf32> to vector<256x16xf32>
    %add3A_34 = arith.addf %add3A_32, %slice3A_33 : vector<256x16xf32>
    %slice3A_35 = vector.extract_strided_slice %get3A_1 {offsets = [4352, 0], sizes = [256, 16], strides = [1, 1]} : vector<16384x16xf32> to vector<256x16xf32>
    %add3A_36 = arith.addf %add3A_34, %slice3A_35 : vector<256x16xf32>
    %slice3A_37 = vector.extract_strided_slice %get3A_1 {offsets = [4608, 0], sizes = [256, 16], strides = [1, 1]} : vector<16384x16xf32> to vector<256x16xf32>
    %add3A_38 = arith.addf %add3A_36, %slice3A_37 : vector<256x16xf32>
    %slice3A_39 = vector.extract_strided_slice %get3A_1 {offsets = [4864, 0], sizes = [256, 16], strides = [1, 1]} : vector<16384x16xf32> to vector<256x16xf32>
    %add3A_40 = arith.addf %add3A_38, %slice3A_39 : vector<256x16xf32>
    %slice3A_41 = vector.extract_strided_slice %get3A_1 {offsets = [5120, 0], sizes = [256, 16], strides = [1, 1]} : vector<16384x16xf32> to vector<256x16xf32>
    %add3A_42 = arith.addf %add3A_40, %slice3A_41 : vector<256x16xf32>
    %slice3A_43 = vector.extract_strided_slice %get3A_1 {offsets = [5376, 0], sizes = [256, 16], strides = [1, 1]} : vector<16384x16xf32> to vector<256x16xf32>
    %add3A_44 = arith.addf %add3A_42, %slice3A_43 : vector<256x16xf32>
    %slice3A_45 = vector.extract_strided_slice %get3A_1 {offsets = [5632, 0], sizes = [256, 16], strides = [1, 1]} : vector<16384x16xf32> to vector<256x16xf32>
    %add3A_46 = arith.addf %add3A_44, %slice3A_45 : vector<256x16xf32>
    %slice3A_47 = vector.extract_strided_slice %get3A_1 {offsets = [5888, 0], sizes = [256, 16], strides = [1, 1]} : vector<16384x16xf32> to vector<256x16xf32>
    %add3A_48 = arith.addf %add3A_46, %slice3A_47 : vector<256x16xf32>
    %slice3A_49 = vector.extract_strided_slice %get3A_1 {offsets = [6144, 0], sizes = [256, 16], strides = [1, 1]} : vector<16384x16xf32> to vector<256x16xf32>
    %add3A_50 = arith.addf %add3A_48, %slice3A_49 : vector<256x16xf32>
    %slice3A_51 = vector.extract_strided_slice %get3A_1 {offsets = [6400, 0], sizes = [256, 16], strides = [1, 1]} : vector<16384x16xf32> to vector<256x16xf32>
    %add3A_52 = arith.addf %add3A_50, %slice3A_51 : vector<256x16xf32>
    %slice3A_53 = vector.extract_strided_slice %get3A_1 {offsets = [6656, 0], sizes = [256, 16], strides = [1, 1]} : vector<16384x16xf32> to vector<256x16xf32>
    %add3A_54 = arith.addf %add3A_52, %slice3A_53 : vector<256x16xf32>
    %slice3A_55 = vector.extract_strided_slice %get3A_1 {offsets = [6912, 0], sizes = [256, 16], strides = [1, 1]} : vector<16384x16xf32> to vector<256x16xf32>
    %add3A_56 = arith.addf %add3A_54, %slice3A_55 : vector<256x16xf32>
    %slice3A_57 = vector.extract_strided_slice %get3A_1 {offsets = [7168, 0], sizes = [256, 16], strides = [1, 1]} : vector<16384x16xf32> to vector<256x16xf32>
    %add3A_58 = arith.addf %add3A_56, %slice3A_57 : vector<256x16xf32>
    %slice3A_59 = vector.extract_strided_slice %get3A_1 {offsets = [7424, 0], sizes = [256, 16], strides = [1, 1]} : vector<16384x16xf32> to vector<256x16xf32>
    %add3A_60 = arith.addf %add3A_58, %slice3A_59 : vector<256x16xf32>
    %slice3A_61 = vector.extract_strided_slice %get3A_1 {offsets = [7680, 0], sizes = [256, 16], strides = [1, 1]} : vector<16384x16xf32> to vector<256x16xf32>
    %add3A_62 = arith.addf %add3A_60, %slice3A_61 : vector<256x16xf32>
    %slice3A_63 = vector.extract_strided_slice %get3A_1 {offsets = [7936, 0], sizes = [256, 16], strides = [1, 1]} : vector<16384x16xf32> to vector<256x16xf32>
    %add3A_64 = arith.addf %add3A_62, %slice3A_63 : vector<256x16xf32>
    %slice3A_65 = vector.extract_strided_slice %get3A_1 {offsets = [8192, 0], sizes = [256, 16], strides = [1, 1]} : vector<16384x16xf32> to vector<256x16xf32>
    %add3A_66 = arith.addf %add3A_64, %slice3A_65 : vector<256x16xf32>
    %slice3A_67 = vector.extract_strided_slice %get3A_1 {offsets = [8448, 0], sizes = [256, 16], strides = [1, 1]} : vector<16384x16xf32> to vector<256x16xf32>
    %add3A_68 = arith.addf %add3A_66, %slice3A_67 : vector<256x16xf32>
    %slice3A_69 = vector.extract_strided_slice %get3A_1 {offsets = [8704, 0], sizes = [256, 16], strides = [1, 1]} : vector<16384x16xf32> to vector<256x16xf32>
    %add3A_70 = arith.addf %add3A_68, %slice3A_69 : vector<256x16xf32>
    %slice3A_71 = vector.extract_strided_slice %get3A_1 {offsets = [8960, 0], sizes = [256, 16], strides = [1, 1]} : vector<16384x16xf32> to vector<256x16xf32>
    %add3A_72 = arith.addf %add3A_70, %slice3A_71 : vector<256x16xf32>
    %slice3A_73 = vector.extract_strided_slice %get3A_1 {offsets = [9216, 0], sizes = [256, 16], strides = [1, 1]} : vector<16384x16xf32> to vector<256x16xf32>
    %add3A_74 = arith.addf %add3A_72, %slice3A_73 : vector<256x16xf32>
    %slice3A_75 = vector.extract_strided_slice %get3A_1 {offsets = [9472, 0], sizes = [256, 16], strides = [1, 1]} : vector<16384x16xf32> to vector<256x16xf32>
    %add3A_76 = arith.addf %add3A_74, %slice3A_75 : vector<256x16xf32>
    %slice3A_77 = vector.extract_strided_slice %get3A_1 {offsets = [9728, 0], sizes = [256, 16], strides = [1, 1]} : vector<16384x16xf32> to vector<256x16xf32>
    %add3A_78 = arith.addf %add3A_76, %slice3A_77 : vector<256x16xf32>
    %slice3A_79 = vector.extract_strided_slice %get3A_1 {offsets = [9984, 0], sizes = [256, 16], strides = [1, 1]} : vector<16384x16xf32> to vector<256x16xf32>
    %add3A_80 = arith.addf %add3A_78, %slice3A_79 : vector<256x16xf32>
    %slice3A_81 = vector.extract_strided_slice %get3A_1 {offsets = [10240, 0], sizes = [256, 16], strides = [1, 1]} : vector<16384x16xf32> to vector<256x16xf32>
    %add3A_82 = arith.addf %add3A_80, %slice3A_81 : vector<256x16xf32>
    %slice3A_83 = vector.extract_strided_slice %get3A_1 {offsets = [10496, 0], sizes = [256, 16], strides = [1, 1]} : vector<16384x16xf32> to vector<256x16xf32>
    %add3A_84 = arith.addf %add3A_82, %slice3A_83 : vector<256x16xf32>
    %slice3A_85 = vector.extract_strided_slice %get3A_1 {offsets = [10752, 0], sizes = [256, 16], strides = [1, 1]} : vector<16384x16xf32> to vector<256x16xf32>
    %add3A_86 = arith.addf %add3A_84, %slice3A_85 : vector<256x16xf32>
    %slice3A_87 = vector.extract_strided_slice %get3A_1 {offsets = [11008, 0], sizes = [256, 16], strides = [1, 1]} : vector<16384x16xf32> to vector<256x16xf32>
    %add3A_88 = arith.addf %add3A_86, %slice3A_87 : vector<256x16xf32>
    %slice3A_89 = vector.extract_strided_slice %get3A_1 {offsets = [11264, 0], sizes = [256, 16], strides = [1, 1]} : vector<16384x16xf32> to vector<256x16xf32>
    %add3A_90 = arith.addf %add3A_88, %slice3A_89 : vector<256x16xf32>
    %slice3A_91 = vector.extract_strided_slice %get3A_1 {offsets = [11520, 0], sizes = [256, 16], strides = [1, 1]} : vector<16384x16xf32> to vector<256x16xf32>
    %add3A_92 = arith.addf %add3A_90, %slice3A_91 : vector<256x16xf32>
    %slice3A_93 = vector.extract_strided_slice %get3A_1 {offsets = [11776, 0], sizes = [256, 16], strides = [1, 1]} : vector<16384x16xf32> to vector<256x16xf32>
    %add3A_94 = arith.addf %add3A_92, %slice3A_93 : vector<256x16xf32>
    %slice3A_95 = vector.extract_strided_slice %get3A_1 {offsets = [12032, 0], sizes = [256, 16], strides = [1, 1]} : vector<16384x16xf32> to vector<256x16xf32>
    %add3A_96 = arith.addf %add3A_94, %slice3A_95 : vector<256x16xf32>
    %slice3A_97 = vector.extract_strided_slice %get3A_1 {offsets = [12288, 0], sizes = [256, 16], strides = [1, 1]} : vector<16384x16xf32> to vector<256x16xf32>
    %add3A_98 = arith.addf %add3A_96, %slice3A_97 : vector<256x16xf32>
    %slice3A_99 = vector.extract_strided_slice %get3A_1 {offsets = [12544, 0], sizes = [256, 16], strides = [1, 1]} : vector<16384x16xf32> to vector<256x16xf32>
    %add3A_100 = arith.addf %add3A_98, %slice3A_99 : vector<256x16xf32>
    %slice3A_101 = vector.extract_strided_slice %get3A_1 {offsets = [12800, 0], sizes = [256, 16], strides = [1, 1]} : vector<16384x16xf32> to vector<256x16xf32>
    %add3A_102 = arith.addf %add3A_100, %slice3A_101 : vector<256x16xf32>
    %slice3A_103 = vector.extract_strided_slice %get3A_1 {offsets = [13056, 0], sizes = [256, 16], strides = [1, 1]} : vector<16384x16xf32> to vector<256x16xf32>
    %add3A_104 = arith.addf %add3A_102, %slice3A_103 : vector<256x16xf32>
    %slice3A_105 = vector.extract_strided_slice %get3A_1 {offsets = [13312, 0], sizes = [256, 16], strides = [1, 1]} : vector<16384x16xf32> to vector<256x16xf32>
    %add3A_106 = arith.addf %add3A_104, %slice3A_105 : vector<256x16xf32>
    %slice3A_107 = vector.extract_strided_slice %get3A_1 {offsets = [13568, 0], sizes = [256, 16], strides = [1, 1]} : vector<16384x16xf32> to vector<256x16xf32>
    %add3A_108 = arith.addf %add3A_106, %slice3A_107 : vector<256x16xf32>
    %slice3A_109 = vector.extract_strided_slice %get3A_1 {offsets = [13824, 0], sizes = [256, 16], strides = [1, 1]} : vector<16384x16xf32> to vector<256x16xf32>
    %add3A_110 = arith.addf %add3A_108, %slice3A_109 : vector<256x16xf32>
    %slice3A_111 = vector.extract_strided_slice %get3A_1 {offsets = [14080, 0], sizes = [256, 16], strides = [1, 1]} : vector<16384x16xf32> to vector<256x16xf32>
    %add3A_112 = arith.addf %add3A_110, %slice3A_111 : vector<256x16xf32>
    %slice3A_113 = vector.extract_strided_slice %get3A_1 {offsets = [14336, 0], sizes = [256, 16], strides = [1, 1]} : vector<16384x16xf32> to vector<256x16xf32>
    %add3A_114 = arith.addf %add3A_112, %slice3A_113 : vector<256x16xf32>
    %slice3A_115 = vector.extract_strided_slice %get3A_1 {offsets = [14592, 0], sizes = [256, 16], strides = [1, 1]} : vector<16384x16xf32> to vector<256x16xf32>
    %add3A_116 = arith.addf %add3A_114, %slice3A_115 : vector<256x16xf32>
    %slice3A_117 = vector.extract_strided_slice %get3A_1 {offsets = [14848, 0], sizes = [256, 16], strides = [1, 1]} : vector<16384x16xf32> to vector<256x16xf32>
    %add3A_118 = arith.addf %add3A_116, %slice3A_117 : vector<256x16xf32>
    %slice3A_119 = vector.extract_strided_slice %get3A_1 {offsets = [15104, 0], sizes = [256, 16], strides = [1, 1]} : vector<16384x16xf32> to vector<256x16xf32>
    %add3A_120 = arith.addf %add3A_118, %slice3A_119 : vector<256x16xf32>
    %slice3A_121 = vector.extract_strided_slice %get3A_1 {offsets = [15360, 0], sizes = [256, 16], strides = [1, 1]} : vector<16384x16xf32> to vector<256x16xf32>
    %add3A_122 = arith.addf %add3A_120, %slice3A_121 : vector<256x16xf32>
    %slice3A_123 = vector.extract_strided_slice %get3A_1 {offsets = [15616, 0], sizes = [256, 16], strides = [1, 1]} : vector<16384x16xf32> to vector<256x16xf32>
    %add3A_124 = arith.addf %add3A_122, %slice3A_123 : vector<256x16xf32>
    %slice3A_125 = vector.extract_strided_slice %get3A_1 {offsets = [15872, 0], sizes = [256, 16], strides = [1, 1]} : vector<16384x16xf32> to vector<256x16xf32>
    %add3A_126 = arith.addf %add3A_124, %slice3A_125 : vector<256x16xf32>
    %slice3A_127 = vector.extract_strided_slice %get3A_1 {offsets = [16128, 0], sizes = [256, 16], strides = [1, 1]} : vector<16384x16xf32> to vector<256x16xf32>
    %add3A_128 = arith.addf %add3A_126, %slice3A_127 : vector<256x16xf32>
    %reshape3A = vector.shape_cast %add3A_128 : vector<256x16xf32> to vector<16x16x16xf32>
    %reduce_sum3A = arith.constant dense<0.000000e+00> : vector<16x16xf32>
    %reduce_sum3A_129 = vector.multi_reduction <add>, %reshape3A, %reduce_sum3A [2] : vector<16x16x16xf32> to vector<16x16xf32>
    %reduce_sum3A_130 = arith.constant dense<0.000000e+00> : vector<16xf32>
    %reduce_sum3A_131 = vector.multi_reduction <add>, %reduce_sum3A_129, %reduce_sum3A_130 [1] : vector<16x16xf32> to vector<16xf32>
    %broadcast_in_dim3A_132 = vector.shape_cast %reduce_sum3A_131 : vector<16xf32> to vector<16x1xf32>
    %reduce_sum3A_133 = arith.constant dense<0.000000e+00> : vector<16xf32>
    %reduce_sum3A_134 = vector.multi_reduction <add>, %reduce_sum3A_129, %reduce_sum3A_133 [0] : vector<16x16xf32> to vector<16xf32>
    %broadcast_in_dim3A_135 = vector.shape_cast %reduce_sum3A_134 : vector<16xf32> to vector<1x16xf32>
    %add3A_136 = vector.broadcast %broadcast_in_dim3A_132 : vector<16x1xf32> to vector<16x16xf32>
    %add3A_137 = vector.broadcast %broadcast_in_dim3A_135 : vector<1x16xf32> to vector<16x16xf32>
    %add3A_138 = arith.addf %add3A_136, %add3A_137 : vector<16x16xf32>
    %sub3A = arith.subf %add3A_138, %reduce_sum3A_129 : vector<16x16xf32>
    %eq3A = arith.constant 0.000000e+00 : f32
    %eq3A_139 = vector.broadcast %eq3A : f32 to vector<16x16xf32>
    %eq3A_140 = arith.cmpf oeq, %sub3A, %eq3A_139 : vector<16x16xf32>
    %max3A = arith.constant 1.000000e+00 : f32
    %max3A_141 = vector.broadcast %max3A : f32 to vector<16x16xf32>
    %max3A_142 = arith.maximumf %sub3A, %max3A_141 : vector<16x16xf32>
    %div3A = arith.divf %reduce_sum3A_129, %max3A_142 : vector<16x16xf32>
    %jit3A = arith.constant 0.000000e+00 : f32
    %broadcast_in_dim3A_143 = vector.broadcast %jit3A : f32 to vector<16x16xf32>
    %select_n3A = arith.select %eq3A_140, %broadcast_in_dim3A_143, %div3A : vector<16x16xi1>, vector<16x16xf32>
    %iota3A = tpu.iota {dimensions = array<i32: 1>} : vector<16x16xi32>
    %ge3A = arith.constant 1 : i32
    %ge3A_144 = vector.broadcast %ge3A : i32 to vector<16x16xi32>
    %ge3A_145 = arith.cmpi sge, %iota3A, %ge3A_144 : vector<16x16xi32>
    %jit3A_146 = arith.constant 0.000000e+00 : f32
    %broadcast_in_dim3A_147 = vector.broadcast %jit3A_146 : f32 to vector<16x16xf32>
    %select_n3A_148 = arith.select %ge3A_145, %select_n3A, %broadcast_in_dim3A_147 : vector<16x16xi1>, vector<16x16xf32>
    %reduce_max3A = arith.constant dense<0xFF800000> : vector<16xf32>
    %reduce_max3A_149 = vector.multi_reduction <maximumf>, %select_n3A_148, %reduce_max3A [1] : vector<16x16xf32> to vector<16xf32>
    %broadcast_in_dim3A_150 = vector.shape_cast %reduce_max3A_149 : vector<16xf32> to vector<16x1xf32>
    %iota3A_151 = tpu.iota {dimensions = array<i32: 0>} : vector<16x1xi32>
    %gt3A = arith.constant 0.000000e+00 : f32
    %gt3A_152 = vector.broadcast %gt3A : f32 to vector<16x1xf32>
    %gt3A_153 = arith.cmpf ogt, %broadcast_in_dim3A_132, %gt3A_152 : vector<16x1xf32>
    %ge3A_154 = arith.constant 1 : i32
    %ge3A_155 = vector.broadcast %ge3A_154 : i32 to vector<16x1xi32>
    %ge3A_156 = arith.cmpi sge, %iota3A_151, %ge3A_155 : vector<16x1xi32>
    %and3A = arith.andi %gt3A_153, %ge3A_156 : vector<16x1xi1>
    %sub3A_157 = arith.constant 1.000000e+00 : f32
    %sub3A_158 = vector.broadcast %sub3A_157 : f32 to vector<16x1xf32>
    %sub3A_159 = arith.subf %sub3A_158, %broadcast_in_dim3A_150 : vector<16x1xf32>
    %jit3A_160 = arith.constant 0.000000e+00 : f32
    %broadcast_in_dim3A_161 = vector.broadcast %jit3A_160 : f32 to vector<16x1xf32>
    %select_n3A_162 = arith.select %and3A, %sub3A_159, %broadcast_in_dim3A_161 : vector<16x1xi1>, vector<16x1xf32>
    %convert_element_type3A = arith.extui %and3A : vector<16x1xi1> to vector<16x1xi32>
    %reduce_sum3A_163 = vector.shape_cast %convert_element_type3A : vector<16x1xi32> to vector<1x16x1xi32>
    %reduce_sum3A_164 = arith.constant dense<0> : vector<1xi32>
    %reduce_sum3A_165 = vector.multi_reduction <add>, %reduce_sum3A_163, %reduce_sum3A_164 [1, 2] : vector<1x16x1xi32> to vector<1xi32>
    %reduce_sum3A_166 = vector.shape_cast %reduce_sum3A_165 : vector<1xi32> to vector<1x1x1xi32>
    %reduce_sum3A_167 = vector.extract %reduce_sum3A_166[0, 0, 0] : i32 from vector<1x1x1xi32>
    %convert_element_type3A_168 = arith.sitofp %iota3A_151 : vector<16x1xi32> to vector<16x1xf32>
    %mul3A = arith.mulf %broadcast_in_dim3A_132, %convert_element_type3A_168 : vector<16x1xf32>
    %reduce_sum3A_169 = vector.shape_cast %mul3A : vector<16x1xf32> to vector<1x16x1xf32>
    %reduce_sum3A_170 = arith.constant dense<0.000000e+00> : vector<1xf32>
    %reduce_sum3A_171 = vector.multi_reduction <add>, %reduce_sum3A_169, %reduce_sum3A_170 [1, 2] : vector<1x16x1xf32> to vector<1xf32>
    %reduce_sum3A_172 = vector.shape_cast %reduce_sum3A_171 : vector<1xf32> to vector<1x1x1xf32>
    %reduce_sum3A_173 = vector.extract %reduce_sum3A_172[0, 0, 0] : f32 from vector<1x1x1xf32>
    %iota3A_174 = tpu.iota {dimensions = array<i32: 1>} : vector<1x16xi32>
    %convert_element_type3A_175 = arith.sitofp %iota3A_174 : vector<1x16xi32> to vector<1x16xf32>
    %mul3A_176 = arith.mulf %broadcast_in_dim3A_135, %convert_element_type3A_175 : vector<1x16xf32>
    %reduce_sum3A_177 = vector.shape_cast %mul3A_176 : vector<1x16xf32> to vector<1x1x16xf32>
    %reduce_sum3A_178 = arith.constant dense<0.000000e+00> : vector<1xf32>
    %reduce_sum3A_179 = vector.multi_reduction <add>, %reduce_sum3A_177, %reduce_sum3A_178 [1, 2] : vector<1x1x16xf32> to vector<1xf32>
    %reduce_sum3A_180 = vector.shape_cast %reduce_sum3A_179 : vector<1xf32> to vector<1x1x1xf32>
    %reduce_sum3A_181 = vector.extract %reduce_sum3A_180[0, 0, 0] : f32 from vector<1x1x1xf32>
    %div3A_182 = arith.constant 9.99999995E+11 : f32
    %div3A_183 = arith.divf %reduce_sum3A_173, %div3A_182 : f32
    %div3A_184 = arith.constant 9.99999995E+11 : f32
    %div3A_185 = arith.divf %reduce_sum3A_181, %div3A_184 : f32
    %add3A_186 = arith.addf %div3A_183, %div3A_185 : f32
    %reduce_sum3A_187 = vector.shape_cast %select_n3A_162 : vector<16x1xf32> to vector<1x16x1xf32>
    %reduce_sum3A_188 = arith.constant dense<0.000000e+00> : vector<1xf32>
    %reduce_sum3A_189 = vector.multi_reduction <add>, %reduce_sum3A_187, %reduce_sum3A_188 [1, 2] : vector<1x16x1xf32> to vector<1xf32>
    %reduce_sum3A_190 = vector.shape_cast %reduce_sum3A_189 : vector<1xf32> to vector<1x1x1xf32>
    %reduce_sum3A_191 = vector.extract %reduce_sum3A_190[0, 0, 0] : f32 from vector<1x1x1xf32>
    %add3A_192 = arith.addf %add3A_186, %reduce_sum3A_191 : f32
    %eq3A_193 = arith.constant 0 : i32
    %eq3A_194 = arith.cmpi eq, %reduce_sum3A_167, %eq3A_193 : i32
    %jit3A_195 = arith.constant 0.000000e+00 : f32
    %select_n3A_196 = arith.select %eq3A_194, %jit3A_195, %add3A_192 : f32
    %swap3A = arith.constant 0 : index
    %swap3A_197 = arith.constant 0 : index
    %swap3A_198 = memref.load %arg1[%swap3A, %swap3A_197] : memref<1x1xf32, #tpu.memory_space<smem>>
    memref.store %select_n3A_196, %arg1[%swap3A, %swap3A_197] : memref<1x1xf32, #tpu.memory_space<smem>>
    return
  }
}

</mosaic_0001>

<sc_bundles>
// kernel: kernel.4.cloned.1.call-start
scs
__scs_entry_jumppad:
0x0: {  	(pc) =	sbr.rel $0x88, $3  }
0x1: {  	(tag) =	ssettag $0x0;
	lr =	simm.s32 $0x1  }
0x2: {  	[smem:$0x3F9F] =	sst lr;
	_ =	strace $0xD0000000  }
0x3: {  	_ = 	snop  }
0x4: {  	_ = 	snop  }
0x5: {  	_ = 	snop  }
0x6: {  	_ = 	snop  }
0x7: {  	_ = 	snop  }
__scs_overlays_trampoline_lowered:
0x8: {  	[smem:$0x3FAE] =	sst s0  }
0x9: {  	[smem:$0x3FAF] =	sst s1  }
0xa: {  	[smem:$0x3FB0] =	sst s2  }
0xb: {  	[smem:$0x3FB1] =	sst s3  }
0xc: {  	[smem:$0x3FB2] =	sst s4  }
0xd: {  	[smem:$0x3FB3] =	sst s5  }
0xe: {  	[smem:$0x3FB4] =	sst s6  }
0xf: {  	[smem:$0x3FB5] =	sst s7  }
0x10: {  	[smem:$0x3FB6] =	sst s8  }
0x11: {  	[smem:$0x3FB7] =	sst s9;
	s0 =	simm.s32 @!p0 $0x0  }
0x12: {  	s1 =	sld [smem:$0x3F9D];
	s0 =	simm.s32 @p0 $0x1  }
0x13: {  	[smem:$0x3FB8] =	sst s0;
	s0 =	simm.s32 @!p1 $0x0  }
0x14: {  	s2 =	sld [smem:$0x3F9C];
	s0 =	simm.s32 @p1 $0x1  }
0x15: {  	[smem:$0x3FB9] =	sst s0;
	s0 =	simm.s32 @!p2 $0x0  }
0x16: {  	s3 =	sld [smem:$0x3FDB];
	s0 =	simm.s32 @p2 $0x1  }
0x17: {  	s4 =	simm.s32 $0x1BF5;
	[smem:$0x3FBB] =	sst s0  }
0x18: {  	s0 =	sld [smem:$0x3F9E];
	_ =	swait.ge [sflag:s4], $0x0  }
0x19: {  	s7 =	sld [smem:$0x3F9F]  }
0x1a: {  	s8 =	sadd.s32 $0xFFFFE003, lr  }
0x1b: {  	s9 =	sadd.s32 $0xFFFFFEF7, lr;
	s5 =	simm.s32 $0xFFFFFFFF;
	p2 =	slt.u32 s8, $0xFFFFF086  }
0x1c: {  	p1 =	slt.u32 s9, $0xF7A;
	s5 =	simm.s32 @!p2 $0x0  }
0x1d: {  	s5 =	simm.s32 @p1 $0x1;
	p0 =	seq.s32 s7, s2  }
0x1e: {  	s7 =	smul.u32 @!p0 $0xF7A, s2;
	p2 =	seq.s32 @!p0 s5, $0x0  }
0x1f: {  	s9 =	smul.u32 $0xF7A, s1;
	s8 =	simm.s32 @!p0 $0x1BF5;
	p2 =	por !p2, p0  }
0x20: {  	[sflag:s8] =	ssyncset.s32 @!p0 $0xFFFFF086;
	s6 =	sadd.s32 @!p0 s3, s7;
	s7 =	simm.s32 @!p0 $0x108  }
0x21: {  	s3 =	sadd.s32 s3, s9;
	s6 =	sadd.s32 @!p0 $0x88, s6;
	s7 =	simm.s32 @p2 $0x1082  }
0x22: {  	[simem:s7], [sflag:s8] =	dma.local @!p0 [hbm:s6], $0xF7A  }
0x23: {  	s9 =	sor.u32 $0xD0000000, s2;
	s6 =	simm.s32 $0x108;
	_ =	swait.ge @!p0 [sflag:s8], $0x0  }
0x24: {  	s3 =	sadd.s32 $0x88, s3;
	s6 =	simm.s32 @!p1 $0x1082;
	[sflag:s4] =	ssyncset.s32 $0xFFFFF086  }
0x25: {  	[simem:s6], [sflag:s4] =	dma.local [hbm:s3], $0xF7A  }
0x26: {  	[smem:$0x3F9F] =	sst s1;
	(tag) =	ssettag s2;
	_ =	strace s9  }
0x27: {  	s1 =	sld [smem:$0x3FAF]  }
0x28: {  	s2 =	sld [smem:$0x3FB0]  }
0x29: {  	s4 =	sld [smem:$0x3FB2]  }
0x2a: {  	p0 =	seq.s32 s5, $0x0;
	s5 =	sld [smem:$0x3FB3]  }
0x2b: {  	s6 =	sld [smem:$0x3FB4]  }
0x2c: {  	s7 =	sld [smem:$0x3FB5]  }
0x2d: {  	s3 =	simm.s32 $0x108;
	s8 =	sld [smem:$0x3FB6]  }
0x2e: {  	s3 =	simm.s32 @!p0 $0x1082;
	s9 =	sld [smem:$0x3FB7]  }
0x2f: {  	lr =	sadd.s32 s0, s3;
	s0 =	sld [smem:$0x3FAE]  }
0x30: {  	s3 =	sld [smem:$0x3FB1]  }
0x31: {  	[smem:$0x3FBA] =	sst s10  }
0x32: {  	s10 =	sld [smem:$0x3FB8];
	_ =	sdelay $0x3  }
0x33: {  	p0 =	seq.s32 s10, $0x1;
	s10 =	sld [smem:$0x3FBA];
	_ =	sdelay $0x3  }
0x34: {  	[smem:$0x3FBA] =	sst s10  }
0x35: {  	s10 =	sld [smem:$0x3FB9];
	_ =	sdelay $0x3  }
0x36: {  	p1 =	seq.s32 s10, $0x1;
	s10 =	sld [smem:$0x3FBA];
	_ =	sdelay $0x3  }
0x37: {  	[smem:$0x3FBA] =	sst s10  }
0x38: {  	s10 =	sld [smem:$0x3FBB]  }
0x39: {  	_ = 	snop;
	(pc) =	sbr.ind lr, $3  }
0x3a: {  	_ = 	snop  }
0x3b: {  	_ = 	snop  }
0x3c: {  	p2 =	seq.s32 s10, $0x1;
	s10 =	sld [smem:$0x3FBA]  }
0x3d: {  	_ =	shalt  }
0x3e: {  	_ =	shalt  }
0x3f: {  	_ =	shalt  }
0x40: {  	_ =	shalt  }
0x41: {  	_ =	shalt  }
0x42: {  	_ =	shalt  }
0x43: {  	_ =	shalt  }
0x44: {  	_ =	shalt  }
0x45: {  	_ =	shalt  }
0x46: {  	_ =	shalt  }
0x47: {  	_ =	shalt  }
0x48: {  	_ =	shalt  }
0x49: {  	_ =	shalt  }
0x4a: {  	_ =	shalt  }
0x4b: {  	_ =	shalt  }
0x4c: {  	_ =	shalt  }
0x4d: {  	_ =	shalt  }
0x4e: {  	_ =	shalt  }
0x4f: {  	_ =	shalt  }
0x50: {  	_ =	shalt  }
0x51: {  	_ =	shalt  }
0x52: {  	_ =	shalt  }
0x53: {  	_ =	shalt  }
0x54: {  	_ =	shalt  }
0x55: {  	_ =	shalt  }
0x56: {  	_ =	shalt  }
0x57: {  	_ =	shalt  }
0x58: {  	_ =	shalt  }
0x59: {  	_ =	shalt  }
0x5a: {  	_ =	shalt  }
0x5b: {  	_ =	shalt  }
0x5c: {  	_ =	shalt  }
0x5d: {  	_ =	shalt  }
0x5e: {  	_ =	shalt  }
0x5f: {  	_ =	shalt  }
0x60: {  	_ =	shalt  }
0x61: {  	_ =	shalt  }
0x62: {  	_ =	shalt  }
0x63: {  	_ =	shalt  }
0x64: {  	_ =	shalt  }
0x65: {  	_ =	shalt  }
0x66: {  	_ =	shalt  }
0x67: {  	_ =	shalt  }
0x68: {  	_ =	shalt  }
0x69: {  	_ =	shalt  }
0x6a: {  	_ =	shalt  }
0x6b: {  	_ =	shalt  }
0x6c: {  	_ =	shalt  }
0x6d: {  	_ =	shalt  }
0x6e: {  	_ =	shalt  }
0x6f: {  	_ =	shalt  }
0x70: {  	_ =	shalt  }
0x71: {  	_ =	shalt  }
0x72: {  	_ =	shalt  }
0x73: {  	_ =	shalt  }
0x74: {  	_ =	shalt  }
0x75: {  	_ =	shalt  }
0x76: {  	_ =	shalt  }
0x77: {  	_ =	shalt  }
0x78: {  	_ =	shalt  }
0x79: {  	_ =	shalt  }
0x7a: {  	_ =	shalt  }
0x7b: {  	_ =	shalt  }
0x7c: {  	_ =	shalt  }
0x7d: {  	_ =	shalt  }
0x7e: {  	_ =	shalt  }
0x7f: {  	_ =	shalt  }
0x80: {  	_ =	shalt  }
0x81: {  	_ =	shalt  }
0x82: {  	_ =	shalt  }
0x83: {  	_ =	shalt  }
0x84: {  	_ =	shalt  }
0x85: {  	_ =	shalt  }
0x86: {  	_ =	shalt  }
0x87: {  	_ =	shalt  }
.Lfunc_end0:
.L_simem_size_0:
called_computation_lowered:
.L_overlay_start_0:
0x88: {  	s2 =	sld [smem:$0x3FD9]  }
0x89: {  	s3 =	sld [smem:$0x3FFE];
	_ =	sdelay $0x1  }
0x8a: {  	s1 =	srdreg.scid  }
0x8b: {  	s0 =	sand.u32 $0x1, s1  }
0x8c: {  	s16 =	sshll.u32 s0, $0xA;
	s2 =	sadd.s32 s3, s2  }
0x8d: {  	s2 =	sadd.s32 s2, s16  }
0x8e: {  	[smem:$0x3FC6] =	sst s2  }
0x8f: {  	_ = 	snop  }
0x90: {  	(tm) =	ssettm $0x1  }
0x91: {  	s17 =	sld [smem:$0x3FFB];
	_ =	sdelay $0x3  }
0x92: {  	_ =	strace s17  }
0x93: {  	s2 =	sld [smem:$0x3FFC];
	_ =	sdelay $0x3  }
0x94: {  	_ =	strace s2  }
0x95: {  	s2 =	sld [smem:$0x3FFD];
	_ =	sdelay $0x3  }
0x96: {  	_ =	strace s2  }
0x97: {  	_ =	strace $0x8FFFFFFF  }
0x98: {  	s18 =	sld [smem:$0x3FDB];
	_ =	sdelay $0x1  }
0x99: {  	s19 =	simm.s32 $_scs_section_size  }
0x9a: {  	s4 =	simm.s32 $_size__tile_overlayer_lowered;
	s5 =	simm.s32 $_tile_overlayer_lowered  }
0x9b: {  	s22 =	simm.s32 $0x1BFF;
	s21 =	sshll.u32 s5, $0x1;
	s2 =	sadd.s32 s19, s18  }
0x9c: {  	s6 =	simm.s32 $0x0;
	s20 =	sshll.u32 s4, $0x1;
	s4 =	sadd.s32 s21, s2  }
0x9d: {  	[timem:s6], [sflag:s22] =	dma.local [hbm:s4], s20  }
0x9e: {  	_ =	swait.ge [sflag:s22], s20  }
0x9f: {  	s3 =	ssub.s32 $0x0, s20;
	[sflag:s22] =	ssyncset.done $0x0  }
0xa0: {  	[sflag:s22] =	ssyncadd.s32 s3;
	_ =	sdelay $0x1  }
0xa1: {  	s23 =	simm.s32 $0x1B8B  }
0xa2: {  	_ =	swait.ge [sflag:s23], $0x1  }
0xa3: {  	[sflag:s23] =	ssyncset.done $0x0  }
0xa4: {  	s25 =	simm.s32 $0x1B8E;
	s24 =	sld [smem:$0x3FFE];
	[sflag:s23] =	ssyncadd.s32 $0xFFFFFFFF  }
0xa5: {  	s26 =	simm.s32 $execute0_lowered;
	[smem:$0x3FD2] =	sst s25  }
0xa6: {  	s4 =	sshll.u32 s26, $0x1;
	_ =	strace $0x80000046;
	[dreg:$0x1] =	wrdreg $0xFFFFFFFF  }
0xa7: {  	s28 =	simm.s32 $_size_execute0_lowered;
	s2 =	sadd.s32 s2, s4;
	[dreg:$0x0] =	wrdreg $0x0  }
0xa8: {  	s4 =	sshll.u32 s28, $0x1;
	[dreg:$0x2] =	wrdreg s2  }
0xa9: {  	[dreg:$0x3] =	wrdreg s4  }
0xaa: {  	[dreg:$0x4] =	wrdreg $0xC0  }
0xab: {  	_ =	task [dreg:s6], $0x5FFFF  }
0xac: {  	[dreg:$0x1] =	wrdreg $0xFFFFFFFF  }
0xad: {  	[dreg:$0x0] =	wrdreg $0x60  }
0xae: {  	[dreg:$0x2] =	wrdreg s24  }
0xaf: {  	[dreg:$0x3] =	wrdreg $0x9  }
0xb0: {  	_ =	task.clear_ibuf [dreg:s6], $0x4FFFF;
	_ =	strace $0x90000046  }
0xb1: {  	s29 =	simm.s32 $0x9;
	_ =	strace $0x80000048  }
0xb2: {  	_ =	swait.ge [sflag:s29], $0x1  }
0xb3: {  	[sflag:s29] =	ssyncadd.s32 $0xFFFFFFFF  }
0xb4: {  	_ =	strace $0x90000048  }
0xb5: {  	_ =	sfence  }
0xb6: {  	s30 =	sld [smem:$0x0];
	_ =	sdelay $0x2  }
0xb7: {  	s31 =	sshll.u32 s1, $0xD;
	s1 =	sshrl.u32 s1, $0x2  }
0xb8: {  	s3 =	sand.u32 $0x4000, s31;
	s1 =	sadd.s32 s1, s30  }
0xb9: {  	s0 =	sor.u32 s3, s0;
	s1 =	sshll.u32 s1, $0x11  }
0xba: {  	s0 =	sor.u32 s1, s0  }
0xbb: {  	s0 =	sadd.s32 $0x8F2B, s0  }
0xbc: {  	[sflag:s0] =	ssyncadd.remote.s32 $0x1  }
0xbd: {  	_ =	sfence.sel $0xFFFF  }
0xbe: {  	[dreg:$0x0] =	wrdreg $0xFFFFFFFF;
	(pc) =	sbr.abs _section_cstart, $3  }
0xbf: {  	[dreg:$0x1] =	wrdreg $0xFFFFFFFF  }
0xc0: {  	_ =	task.clear_ibuf [dreg:s6], $0x2FFFF;
	_ =	strace $0x9FFFFFFF  }
0xc1: {  	(tm) =	ssettm $0x7FFFFFFF  }
tec
execute0_lowered:
.L_overlay_start_1:
0x0: {  	(tag) =	ssettag $0x1  }
0x1: {  	s0 =	rddreg [dreg:$0x0];
	s2 =	simm.s32 $0x0;
	s1 =	srdreg.scid  }
0x2: {  	s3 =	stileid.u32;
	s19 =	simm.s32 $0x6000;
	s20 =	simm.s32 $0xE000  }
0x3: {  	s21 =	simm.s32 $0x1;
	s22 =	simm.s32 $0x2;
	s23 =	simm.s32 $0x10000  }
0x4: {  	s24 =	simm.s32 $0x18000;
	s25 =	simm.s32 $0x3;
	s26 =	simm.s32 $0x4  }
0x5: {  	s28 =	simm.s32 $0x5;
	s29 =	simm.s32 $0x6;
	s30 =	simm.s32 $0x7  }
0x6: {  	s31 =	simm.s32 $0x8;
	[smem:$0x7FF] =	sst s2;
	s1 =	sand.u32 $0x1, s1  }
0x7: {  	s3 =	sshll.u32 s3, $0x1;
	s9 =	sadd.s32 $0x800, s0;
	s10 =	sadd.s32 $0x20800, s0  }
0x8: {  	_ =	strace $0x80000047;
	s3 =	sor.u32 s1, s3;
	s1 =	ssub.s32 $0x2, s1  }
0x9: {  	s4 =	sshll.u32 s3, $0xD;
	s5 =	sshrl.u32 s1, $0x1;
	s11 =	sshll.u32 s3, $0xC  }
0xa: {  	s0 =	sadd.s32 s4, s0;
	s1 =	ssub.s32 s1, s5;
	s3 =	sadd.s32 s9, s11  }
0xb: {  	s4 =	sadd.s32 s10, s11;
	s6 =	sor.u32 $0x400, s11;
	s8 =	sor.u32 $0x800, s11  }
0xc: {  	s11 =	sor.u32 $0xC00, s11;
	s5 =	sadd.s32 s9, s6;
	s6 =	sadd.s32 s10, s6  }
0xd: {  	s7 =	sadd.s32 s9, s8;
	s8 =	sadd.s32 s10, s8;
	s9 =	sadd.s32 s9, s11  }
0xe: {  	s10 =	sadd.s32 s10, s11;
	s11 =	sadd.s32 $0x40800, s0;
	s12 =	sadd.s32 $0x41800, s0  }
0xf: {  	v0 =	vimm.f32 $0.0e+00;
	v1 =	vlaneseq.u32;
	v2 =	vimm.f32 $1.000000000e+00;
	s13 =	smax.u32 s1, $0x1;
	s0 =	simm.s32 $0x9;
	s1 =	simm.s32 $0x0  }
.LBB2_1:
0x10: {  	[tilespmem:s2], [sflag:$0x1] =	stream.linear.gather [hbm4b:s3+s2], $0x2000, $0x38;
	v63 =	vld [tilespmem:$0x0]  }
0x11: {  	s14 =	simm.s32 $0x8000  }
0x12: {  	[tilespmem:s14], [sflag:$0x2] =	stream.linear.gather [hbm4b:s4+s2], $0x2000, $0x38;
	v63 =	vld [tilespmem:$0x0]  }
0x13: {  	s15 =	simm.s32 $0x2000  }
0x14: {  	[tilespmem:s15], [sflag:$0x3] =	stream.linear.gather [hbm4b:s5+s2], $0x2000, $0x38;
	v63 =	vld [tilespmem:$0x0]  }
0x15: {  	s16 =	simm.s32 $0xA000  }
0x16: {  	[tilespmem:s16], [sflag:$0x4] =	stream.linear.gather [hbm4b:s6+s2], $0x2000, $0x38;
	v63 =	vld [tilespmem:$0x0]  }
0x17: {  	s17 =	simm.s32 $0x4000  }
0x18: {  	[tilespmem:s17], [sflag:$0x5] =	stream.linear.gather [hbm4b:s7+s2], $0x2000, $0x38;
	v63 =	vld [tilespmem:$0x0]  }
0x19: {  	s18 =	simm.s32 $0xC000  }
0x1a: {  	[tilespmem:s18], [sflag:$0x6] =	stream.linear.gather [hbm4b:s8+s2], $0x2000, $0x38;
	v63 =	vld [tilespmem:$0x0]  }
0x1b: {  	_ = 	snop  }
0x1c: {  	[tilespmem:s19], [sflag:$0x7] =	stream.linear.gather [hbm4b:s9+s2], $0x2000, $0x38;
	v63 =	vld [tilespmem:$0x0]  }
0x1d: {  	s15 =	simm.s32 $0x10200  }
0x1e: {  	[tilespmem:s20], [sflag:$0x8] =	stream.linear.gather [hbm4b:s10+s2], $0x2000, $0x38;
	v63 =	vld [tilespmem:$0x0]  }
0x1f: {  	[tilespmem:s15+$0xFFFFFE80] =	vst v0  }
0x20: {  	[tilespmem:s15+$0xFFFFFF00] =	vst v0  }
0x21: {  	[tilespmem:s15+$0xFFFFFF80] =	vst v0  }
0x22: {  	[tilespmem:s15+$0x0] =	vst v0  }
0x23: {  	[tilespmem:s15+$0x80] =	vst v0  }
0x24: {  	[tilespmem:s15+$0x100] =	vst v0  }
0x25: {  	[tilespmem:s15+$0x180] =	vst v0  }
0x26: {  	s14 =	simm.s32 $0x18200;
	[tilespmem:s15+$0xFFFFFE00] =	vst v0  }
0x27: {  	[tilespmem:s14+$0xFFFFFE80] =	vst v0  }
0x28: {  	[tilespmem:s14+$0xFFFFFF00] =	vst v0  }
0x29: {  	[tilespmem:s14+$0xFFFFFF80] =	vst v0  }
0x2a: {  	[tilespmem:s14+$0x0] =	vst v0  }
0x2b: {  	[tilespmem:s14+$0x80] =	vst v0  }
0x2c: {  	[tilespmem:s14+$0x100] =	vst v0  }
0x2d: {  	[tilespmem:s14+$0x180] =	vst v0  }
0x2e: {  	s16 =	simm.s32 $0x10600;
	s15 =	simm.s32 $0x0;
	[tilespmem:s14+$0xFFFFFE00] =	vst v0  }
.LBB2_2:
0x2f: {  	[tilespmem:s16+$0xFFFFFE80] =	vst v0;
	s14 =	sadd.s32 $0x400, s14  }
0x30: {  	[tilespmem:s14+$0xFFFFFE80] =	vst v0  }
0x31: {  	[tilespmem:s16+$0xFFFFFF00] =	vst v0  }
0x32: {  	[tilespmem:s14+$0xFFFFFF00] =	vst v0  }
0x33: {  	[tilespmem:s16+$0xFFFFFF80] =	vst v0  }
0x34: {  	[tilespmem:s14+$0xFFFFFF80] =	vst v0  }
0x35: {  	[tilespmem:s16+$0x0] =	vst v0  }
0x36: {  	[tilespmem:s14+$0x0] =	vst v0  }
0x37: {  	[tilespmem:s16+$0x80] =	vst v0  }
0x38: {  	s15 =	sadd.s32 $0x8, s15;
	[tilespmem:s14+$0x80] =	vst v0  }
0x39: {  	p0 =	slt.u32 s15, $0xF8;
	[tilespmem:s16+$0x100] =	vst v0  }
.Ltmp0:
0x3a: {  	[tilespmem:s14+$0x100] =	vst v0;
	(pc) =	sbr.rel @p0 .LBB2_2-.Ltmp0, $4  }
0x3b: {  	[tilespmem:s16+$0x180] =	vst v0  }
0x3c: {  	[tilespmem:s14+$0x180] =	vst v0  }
0x3d: {  	[tilespmem:s16+$0xFFFFFE00] =	vst v0  }
0x3e: {  	s16 =	sadd.s32 $0x400, s16;
	[tilespmem:s14+$0xFFFFFE00] =	vst v0  }
0x3f: {  	_ =	swait.ge [sflag:s21], $0x2000  }
0x40: {  	[sflag:s21] =	ssyncset.done $0x0  }
0x41: {  	[sflag:s21] =	ssyncadd.s32 $0xFFFFE000  }
0x42: {  	_ =	swait.ge [sflag:s22], $0x2000  }
0x43: {  	[sflag:s22] =	ssyncset.done $0x0  }
0x44: {  	s17 =	simm.s32 $0x40;
	[sflag:s22] =	ssyncadd.s32 $0xFFFFE000  }
0x45: {  	v3 =	vld [tilespmem:s17+$0x20]  }
0x46: {  	s16 =	simm.s32 $0x8040  }
0x47: {  	v4 =	vld [tilespmem:s16+$0x20]  }
0x48: {  	v5 =	vld [tilespmem:s17+$0xFFFFFFC0]  }
0x49: {  	v6 =	vld [tilespmem:s17+$0xFFFFFFE0]  }
0x4a: {  	v7 =	vld [tilespmem:s16+$0xFFFFFFC0];
	v3 =	vmul.f32 $1.600000000e+01, v3  }
0x4b: {  	v8 =	vld [tilespmem:s16+$0xFFFFFFE0]  }
0x4c: {  	v3 =	vadd.f32 v4, v3  }
0x4d: {  	v4 =	vmul.f32 $1.600000000e+01, v5  }
0x4e: {  	v5 =	vmul.f32 $1.600000000e+01, v6;
	v3 =	vtrunc.f32 v3  }
0x4f: {  	v4 =	vadd.f32 v7, v4;
	v3 =	vcvt.f32.s32 v3  }
0x50: {  	v5 =	vadd.f32 v8, v5  }
0x51: {  	v4 =	vtrunc.f32 v4;
	v3 =	vshll.u32 v3, $0x7  }
0x52: {  	v6 =	vld [tilespmem:s17+$0x0];
	v5 =	vtrunc.f32 v5;
	v4 =	vcvt.f32.s32 v4;
	v3 =	vor.u32 v1, v3  }
0x53: {  	v5 =	vcvt.f32.s32 v5  }
0x54: {  	v7 =	vld [tilespmem:s16+$0x0];
	v4 =	vshll.u32 v4, $0x7  }
0x55: {  	v5 =	vshll.u32 v5, $0x7;
	v4 =	vor.u32 v1, v4  }
0x56: {  	v5 =	vor.u32 v1, v5  }
0x57: {  	v6 =	vmul.f32 $1.600000000e+01, v6;
	[tilespmem:v3+s23+$0x0] =	vst.idx.add.f32.msk $0xffff, v2  }
0x58: {  	v3 =	vld [tilespmem:s17+$0x30]  }
0x59: {  	v6 =	vadd.f32 v7, v6;
	v7 =	vld [tilespmem:s16+$0x30]  }
0x5a: {  	[tilespmem:v4+s23+$0x0] =	vst.idx.add.f32.msk $0xffff, v2  }
0x5b: {  	s14 =	simm.s32 $0xC0;
	[tilespmem:v5+s23+$0x0] =	vst.idx.add.f32.msk $0xffff, v2  }
0x5c: {  	v4 =	vtrunc.f32 v6;
	v5 =	vld [tilespmem:s14+$0x20]  }
0x5d: {  	s15 =	simm.s32 $0x80C0;
	v4 =	vcvt.f32.s32 v4  }
0x5e: {  	v8 =	vld [tilespmem:s15+$0x20]  }
0x5f: {  	v9 =	vld [tilespmem:s14+$0xFFFFFFC0];
	v4 =	vshll.u32 v4, $0x7;
	v3 =	vmul.f32 $1.600000000e+01, v3  }
0x60: {  	v10 =	vld [tilespmem:s14+$0x0];
	v4 =	vor.u32 v1, v4  }
0x61: {  	v6 =	vld [tilespmem:s14+$0xFFFFFFE0];
	v5 =	vmul.f32 $1.600000000e+01, v5;
	v3 =	vadd.f32 v7, v3  }
0x62: {  	v7 =	vld [tilespmem:s15+$0xFFFFFFC0]  }
0x63: {  	v11 =	vld [tilespmem:s15+$0xFFFFFFE0];
	v5 =	vadd.f32 v8, v5;
	v3 =	vtrunc.f32 v3  }
0x64: {  	v12 =	vld [tilespmem:s15+$0x0];
	v3 =	vcvt.f32.s32 v3  }
0x65: {  	[tilespmem:v4+s23+$0x0] =	vst.idx.add.f32.msk $0xffff, v2;
	v4 =	vmul.f32 $1.600000000e+01, v9;
	v5 =	vtrunc.f32 v5  }
0x66: {  	v13 =	vld [tilespmem:s16+$0xFFFFFFF0];
	v6 =	vmul.f32 $1.600000000e+01, v6;
	v5 =	vcvt.f32.s32 v5  }
0x67: {  	v8 =	vld [tilespmem:s17+$0xFFFFFFD0];
	v4 =	vadd.f32 v7, v4;
	v3 =	vshll.u32 v3, $0x7  }
0x68: {  	v6 =	vadd.f32 v11, v6;
	v9 =	vld [tilespmem:s17+$0xFFFFFFF0];
	v3 =	vor.u32 v1, v3;
	v5 =	vshll.u32 v5, $0x7  }
0x69: {  	v7 =	vmul.f32 $1.600000000e+01, v10;
	v10 =	vld [tilespmem:s17+$0x10];
	v4 =	vtrunc.f32 v4;
	v5 =	vor.u32 v1, v5  }
0x6a: {  	v11 =	vld [tilespmem:s16+$0xFFFFFFD0];
	v6 =	vtrunc.f32 v6;
	v4 =	vcvt.f32.s32 v4  }
0x6b: {  	v6 =	vcvt.f32.s32 v6;
	v14 =	vld [tilespmem:s16+$0x10]  }
0x6c: {  	v8 =	vmul.f32 $1.600000000e+01, v8;
	v7 =	vadd.f32 v12, v7;
	v4 =	vshll.u32 v4, $0x7  }
0x6d: {  	v9 =	vmul.f32 $1.600000000e+01, v9;
	v62 =	vor.u32 v1, v4;
	v4 =	vshll.u32 v6, $0x7;
	[tilespmem:v3+s24+$0x0] =	vst.idx.add.f32.msk $0xffff, v2  }
0x6e: {  	v3 =	vmul.f32 $1.600000000e+01, v10;
	v6 =	vor.u32 v1, v4;
	[tilespmem:v5+s23+$0x0] =	vst.idx.add.f32.msk $0xffff, v2  }
0x6f: {  	v4 =	vtrunc.f32 v7;
	v7 =	vadd.f32 v11, v8;
	v8 =	vadd.f32 v13, v9;
	v5 =	vld [tilespmem:s14+$0x30]  }
0x70: {  	v9 =	vcvt.f32.s32 v4;
	v3 =	vadd.f32 v14, v3  }
0x71: {  	v4 =	vld [tilespmem:s15+$0x30];
	v7 =	vtrunc.f32 v7;
	v10 =	vtrunc.f32 v8  }
0x72: {  	v9 =	vshll.u32 v9, $0x7;
	v8 =	vcvt.f32.s32 v7;
	v11 =	vtrunc.f32 v3;
	[tilespmem:v62+s23+$0x0] =	vst.idx.add.f32.msk $0xffff, v2  }
0x73: {  	s18 =	simm.s32 $0x140;
	s16 =	simm.s32 $0x80C0;
	s17 =	simm.s32 $0x4;
	v7 =	vcvt.f32.s32 v10;
	v3 =	vor.u32 v1, v9;
	[tilespmem:v6+s23+$0x0] =	vst.idx.add.f32.msk $0xffff, v2;
	v6 =	vcvt.f32.s32 v11  }
.LBB2_4:
0x74: {  	v9 =	vld [tilespmem:s18+$0x20];
	s17 =	sadd.s32 $0x4, s17;
	v5 =	vmul.f32 $1.600000000e+01, v5;
	v8 =	vshll.u32 v8, $0x7  }
0x75: {  	s15 =	sadd.s32 $0x80, s15;
	v10 =	vld [tilespmem:s18+$0xFFFFFFE0];
	p0 =	slt.u32 s17, $0xFC;
	v8 =	vor.u32 v1, v8;
	v7 =	vshll.u32 v7, $0x7;
	v6 =	vshll.u32 v6, $0x7  }
0x76: {  	v11 =	vld [tilespmem:s15+$0x20];
	v4 =	vadd.f32 v4, v5;
	v5 =	vor.u32 v1, v7;
	v6 =	vor.u32 v1, v6  }
0x77: {  	v7 =	vld [tilespmem:s18+$0x0]  }
0x78: {  	v12 =	vld [tilespmem:s18+$0xFFFFFFC0];
	v4 =	vtrunc.f32 v4  }
0x79: {  	v13 =	vld [tilespmem:s15+$0xFFFFFFC0];
	v9 =	vmul.f32 $1.600000000e+01, v9;
	v4 =	vcvt.f32.s32 v4  }
0x7a: {  	v14 =	vld [tilespmem:s15+$0xFFFFFFE0];
	v10 =	vmul.f32 $1.600000000e+01, v10  }
0x7b: {  	v15 =	vld [tilespmem:s15+$0x0];
	v9 =	vadd.f32 v11, v9;
	v4 =	vshll.u32 v4, $0x7  }
0x7c: {  	v7 =	vmul.f32 $1.600000000e+01, v7;
	[tilespmem:v3+s23+$0x0] =	vst.idx.add.f32.msk $0xffff, v2;
	v3 =	vor.u32 v1, v4  }
0x7d: {  	v4 =	vmul.f32 $1.600000000e+01, v12;
	v9 =	vtrunc.f32 v9;
	v11 =	vld [tilespmem:s14+$0xFFFFFFD0]  }
0x7e: {  	v9 =	vcvt.f32.s32 v9;
	v12 =	vld [tilespmem:s14+$0xFFFFFFF0]  }
0x7f: {  	v4 =	vadd.f32 v13, v4;
	v10 =	vadd.f32 v14, v10;
	v13 =	vld [tilespmem:s14+$0x10];
	s14 =	smov.u32 s18  }
0x80: {  	v7 =	vadd.f32 v15, v7;
	v9 =	vshll.u32 v9, $0x7;
	v14 =	vld [tilespmem:s16+$0xFFFFFFD0]  }
0x81: {  	v4 =	vtrunc.f32 v4;
	v10 =	vtrunc.f32 v10;
	v9 =	vor.u32 v1, v9;
	[tilespmem:v3+s24+$0x0] =	vst.idx.add.f32.msk $0xffff, v2  }
0x82: {  	v3 =	vcvt.f32.s32 v4;
	v4 =	vtrunc.f32 v7;
	v7 =	vld [tilespmem:s16+$0xFFFFFFF0]  }
0x83: {  	v10 =	vcvt.f32.s32 v10;
	v4 =	vcvt.f32.s32 v4;
	v15 =	vld [tilespmem:s16+$0x10];
	s16 =	smov.u32 s15  }
0x84: {  	v11 =	vmul.f32 $1.600000000e+01, v11;
	v12 =	vmul.f32 $1.600000000e+01, v12;
	v3 =	vshll.u32 v3, $0x7;
	[tilespmem:v8+s24+$0x0] =	vst.idx.add.f32.msk $0xffff, v2  }
0x85: {  	v8 =	vor.u32 v1, v3;
	v3 =	vshll.u32 v10, $0x7;
	v4 =	vshll.u32 v4, $0x7;
	[tilespmem:v5+s24+$0x0] =	vst.idx.add.f32.msk $0xffff, v2  }
0x86: {  	v10 =	vor.u32 v1, v3;
	v3 =	vor.u32 v1, v4;
	[tilespmem:v9+s23+$0x0] =	vst.idx.add.f32.msk $0xffff, v2;
	v4 =	vmul.f32 $1.600000000e+01, v13  }
.Ltmp1:
0x87: {  	v9 =	vadd.f32 v14, v11;
	v5 =	vld [tilespmem:s18+$0x30];
	v7 =	vadd.f32 v7, v12;
	(pc) =	sbr.rel @p0 .LBB2_4-.Ltmp1, $4  }
0x88: {  	v11 =	vadd.f32 v15, v4;
	[tilespmem:v6+s24+$0x0] =	vst.idx.add.f32.msk $0xffff, v2  }
0x89: {  	v6 =	vtrunc.f32 v9;
	v4 =	vld [tilespmem:s15+$0x30];
	v7 =	vtrunc.f32 v7  }
0x8a: {  	[tilespmem:v8+s23+$0x0] =	vst.idx.add.f32.msk $0xffff, v2;
	v8 =	vcvt.f32.s32 v6;
	v6 =	vtrunc.f32 v11  }
0x8b: {  	s18 =	sadd.s32 $0x80, s18;
	v7 =	vcvt.f32.s32 v7;
	[tilespmem:v10+s23+$0x0] =	vst.idx.add.f32.msk $0xffff, v2;
	v6 =	vcvt.f32.s32 v6  }
0x8c: {  	_ =	sdelay $0x3  }
0x8d: {  	[tilespmem:v3+s23+$0x0] =	vst.idx.add.f32.msk $0xffff, v2  }
0x8e: {  	v3 =	vld [tilespmem:s14+$0xFFFFFFD0]  }
0x8f: {  	v9 =	vld [tilespmem:s14+$0xFFFFFFF0]  }
0x90: {  	v5 =	vmul.f32 $1.600000000e+01, v5;
	v11 =	vld [tilespmem:s16+$0xFFFFFFD0]  }
0x91: {  	v10 =	vld [tilespmem:s14+$0x10]  }
0x92: {  	v4 =	vadd.f32 v4, v5;
	v5 =	vld [tilespmem:s16+$0xFFFFFFF0]  }
0x93: {  	v12 =	vld [tilespmem:s16+$0x10]  }
0x94: {  	v4 =	vtrunc.f32 v4;
	v3 =	vmul.f32 $1.600000000e+01, v3  }
0x95: {  	v8 =	vshll.u32 v8, $0x7;
	v4 =	vcvt.f32.s32 v4;
	v9 =	vmul.f32 $1.600000000e+01, v9  }
0x96: {  	v8 =	vor.u32 v1, v8;
	v10 =	vmul.f32 $1.600000000e+01, v10;
	v3 =	vadd.f32 v11, v3  }
0x97: {  	v7 =	vshll.u32 v7, $0x7;
	v4 =	vshll.u32 v4, $0x7;
	v5 =	vadd.f32 v5, v9  }
0x98: {  	v4 =	vor.u32 v1, v4;
	v9 =	vadd.f32 v12, v10;
	v3 =	vtrunc.f32 v3  }
0x99: {  	v6 =	vshll.u32 v6, $0x7;
	v5 =	vtrunc.f32 v5;
	v3 =	vcvt.f32.s32 v3  }
0x9a: {  	v7 =	vor.u32 v1, v7;
	v9 =	vtrunc.f32 v9;
	v5 =	vcvt.f32.s32 v5  }
0x9b: {  	v6 =	vor.u32 v1, v6;
	v9 =	vcvt.f32.s32 v9;
	v3 =	vshll.u32 v3, $0x7  }
0x9c: {  	v5 =	vshll.u32 v5, $0x7;
	v3 =	vor.u32 v1, v3  }
0x9d: {  	[tilespmem:v4+s24+$0x0] =	vst.idx.add.f32.msk $0xffff, v2;
	v4 =	vshll.u32 v9, $0x7;
	v5 =	vor.u32 v1, v5  }
0x9e: {  	[tilespmem:v8+s24+$0x0] =	vst.idx.add.f32.msk $0xffff, v2;
	v4 =	vor.u32 v1, v4  }
0x9f: {  	[tilespmem:v7+s24+$0x0] =	vst.idx.add.f32.msk $0xffff, v2  }
0xa0: {  	[tilespmem:v6+s24+$0x0] =	vst.idx.add.f32.msk $0xffff, v2  }
0xa1: {  	[tilespmem:v3+s24+$0x0] =	vst.idx.add.f32.msk $0xffff, v2  }
0xa2: {  	[tilespmem:v5+s24+$0x0] =	vst.idx.add.f32.msk $0xffff, v2  }
0xa3: {  	[tilespmem:v4+s24+$0x0] =	vst.idx.add.f32.msk $0xffff, v2  }
0xa4: {  	_ =	swait.ge [sflag:s25], $0x2000  }
0xa5: {  	[sflag:s25] =	ssyncset.done $0x0  }
0xa6: {  	[sflag:s25] =	ssyncadd.s32 $0xFFFFE000  }
0xa7: {  	_ =	swait.ge [sflag:s26], $0x2000  }
0xa8: {  	[sflag:s26] =	ssyncset.done $0x0  }
0xa9: {  	s17 =	simm.s32 $0x2070;
	[sflag:s26] =	ssyncadd.s32 $0xFFFFE000  }
0xaa: {  	v3 =	vld [tilespmem:s17+$0xFFFFFFF0]  }
0xab: {  	s18 =	simm.s32 $0xA070  }
0xac: {  	v4 =	vld [tilespmem:s18+$0xFFFFFFF0]  }
0xad: {  	v5 =	vld [tilespmem:s17+$0xFFFFFF90]  }
0xae: {  	v6 =	vld [tilespmem:s17+$0xFFFFFFB0]  }
0xaf: {  	v7 =	vld [tilespmem:s18+$0xFFFFFF90];
	v3 =	vmul.f32 $1.600000000e+01, v3  }
0xb0: {  	v8 =	vld [tilespmem:s18+$0xFFFFFFB0]  }
0xb1: {  	v3 =	vadd.f32 v4, v3  }
0xb2: {  	v4 =	vmul.f32 $1.600000000e+01, v5  }
0xb3: {  	v5 =	vmul.f32 $1.600000000e+01, v6;
	v3 =	vtrunc.f32 v3  }
0xb4: {  	v4 =	vadd.f32 v7, v4;
	v3 =	vcvt.f32.s32 v3  }
0xb5: {  	v5 =	vadd.f32 v8, v5  }
0xb6: {  	v4 =	vtrunc.f32 v4;
	v3 =	vshll.u32 v3, $0x7  }
0xb7: {  	v6 =	vld [tilespmem:s17+$0xFFFFFFD0];
	v5 =	vtrunc.f32 v5;
	v4 =	vcvt.f32.s32 v4;
	v3 =	vor.u32 v1, v3  }
0xb8: {  	v5 =	vcvt.f32.s32 v5  }
0xb9: {  	v7 =	vld [tilespmem:s18+$0xFFFFFFD0];
	v4 =	vshll.u32 v4, $0x7  }
0xba: {  	v5 =	vshll.u32 v5, $0x7;
	v4 =	vor.u32 v1, v4  }
0xbb: {  	v5 =	vor.u32 v1, v5  }
0xbc: {  	v6 =	vmul.f32 $1.600000000e+01, v6;
	[tilespmem:v3+s23+$0x0] =	vst.idx.add.f32.msk $0xffff, v2  }
0xbd: {  	v3 =	vld [tilespmem:s17+$0x0]  }
0xbe: {  	v6 =	vadd.f32 v7, v6;
	v7 =	vld [tilespmem:s18+$0x0]  }
0xbf: {  	[tilespmem:v4+s23+$0x0] =	vst.idx.add.f32.msk $0xffff, v2  }
0xc0: {  	s14 =	simm.s32 $0x20F0;
	[tilespmem:v5+s23+$0x0] =	vst.idx.add.f32.msk $0xffff, v2  }
0xc1: {  	v4 =	vtrunc.f32 v6;
	v5 =	vld [tilespmem:s14+$0xFFFFFFF0]  }
0xc2: {  	s15 =	simm.s32 $0xA0F0;
	v4 =	vcvt.f32.s32 v4  }
0xc3: {  	v8 =	vld [tilespmem:s15+$0xFFFFFFF0]  }
0xc4: {  	v9 =	vld [tilespmem:s14+$0xFFFFFF90];
	v4 =	vshll.u32 v4, $0x7;
	v3 =	vmul.f32 $1.600000000e+01, v3  }
0xc5: {  	v10 =	vld [tilespmem:s14+$0xFFFFFFD0];
	v4 =	vor.u32 v1, v4  }
0xc6: {  	v6 =	vld [tilespmem:s14+$0xFFFFFFB0];
	v5 =	vmul.f32 $1.600000000e+01, v5;
	v3 =	vadd.f32 v7, v3  }
0xc7: {  	v7 =	vld [tilespmem:s15+$0xFFFFFF90]  }
0xc8: {  	v11 =	vld [tilespmem:s15+$0xFFFFFFB0];
	v5 =	vadd.f32 v8, v5;
	v3 =	vtrunc.f32 v3  }
0xc9: {  	v61 =	vld [tilespmem:s15+$0xFFFFFFD0];
	v3 =	vcvt.f32.s32 v3  }
0xca: {  	[tilespmem:v4+s23+$0x0] =	vst.idx.add.f32.msk $0xffff, v2;
	v4 =	vmul.f32 $1.600000000e+01, v9;
	v5 =	vtrunc.f32 v5  }
0xcb: {  	v13 =	vld [tilespmem:s18+$0xFFFFFFC0];
	v6 =	vmul.f32 $1.600000000e+01, v6;
	v5 =	vcvt.f32.s32 v5  }
0xcc: {  	v8 =	vld [tilespmem:s17+$0xFFFFFFA0];
	v4 =	vadd.f32 v7, v4;
	v3 =	vshll.u32 v3, $0x7  }
0xcd: {  	v6 =	vadd.f32 v11, v6;
	v9 =	vld [tilespmem:s17+$0xFFFFFFC0];
	v3 =	vor.u32 v1, v3;
	v5 =	vshll.u32 v5, $0x7  }
0xce: {  	v7 =	vmul.f32 $1.600000000e+01, v10;
	v10 =	vld [tilespmem:s17+$0xFFFFFFE0];
	v4 =	vtrunc.f32 v4;
	v5 =	vor.u32 v1, v5  }
0xcf: {  	v11 =	vld [tilespmem:s18+$0xFFFFFFA0];
	v6 =	vtrunc.f32 v6;
	v4 =	vcvt.f32.s32 v4  }
0xd0: {  	v6 =	vcvt.f32.s32 v6;
	v14 =	vld [tilespmem:s18+$0xFFFFFFE0]  }
0xd1: {  	v8 =	vmul.f32 $1.600000000e+01, v8;
	v7 =	vadd.f32 v61, v7;
	v4 =	vshll.u32 v4, $0x7  }
0xd2: {  	v9 =	vmul.f32 $1.600000000e+01, v9;
	v62 =	vor.u32 v1, v4;
	v4 =	vshll.u32 v6, $0x7;
	[tilespmem:v3+s24+$0x0] =	vst.idx.add.f32.msk $0xffff, v2  }
0xd3: {  	v3 =	vmul.f32 $1.600000000e+01, v10;
	v6 =	vor.u32 v1, v4;
	[tilespmem:v5+s23+$0x0] =	vst.idx.add.f32.msk $0xffff, v2  }
0xd4: {  	v4 =	vtrunc.f32 v7;
	v7 =	vadd.f32 v11, v8;
	v8 =	vadd.f32 v13, v9;
	v5 =	vld [tilespmem:s14+$0x0]  }
0xd5: {  	v9 =	vcvt.f32.s32 v4;
	v3 =	vadd.f32 v14, v3  }
0xd6: {  	v4 =	vld [tilespmem:s15+$0x0];
	v7 =	vtrunc.f32 v7;
	v10 =	vtrunc.f32 v8  }
0xd7: {  	v9 =	vshll.u32 v9, $0x7;
	v8 =	vcvt.f32.s32 v7;
	v11 =	vtrunc.f32 v3;
	[tilespmem:v62+s23+$0x0] =	vst.idx.add.f32.msk $0xffff, v2  }
0xd8: {  	s16 =	simm.s32 $0xA0F0;
	s18 =	simm.s32 $0x2170;
	s17 =	simm.s32 $0x104;
	v7 =	vcvt.f32.s32 v10;
	v3 =	vor.u32 v1, v9;
	[tilespmem:v6+s23+$0x0] =	vst.idx.add.f32.msk $0xffff, v2;
	v6 =	vcvt.f32.s32 v11  }
.LBB2_6:
0xd9: {  	v9 =	vld [tilespmem:s18+$0xFFFFFFF0];
	s17 =	sadd.s32 $0x4, s17;
	v5 =	vmul.f32 $1.600000000e+01, v5;
	v8 =	vshll.u32 v8, $0x7  }
0xda: {  	s15 =	sadd.s32 $0x80, s15;
	v10 =	vld [tilespmem:s18+$0xFFFFFFB0];
	p0 =	slt.u32 s17, $0x1FC;
	v8 =	vor.u32 v1, v8;
	v7 =	vshll.u32 v7, $0x7;
	v6 =	vshll.u32 v6, $0x7  }
0xdb: {  	v11 =	vld [tilespmem:s15+$0xFFFFFFF0];
	v4 =	vadd.f32 v4, v5;
	v5 =	vor.u32 v1, v7;
	v6 =	vor.u32 v1, v6  }
0xdc: {  	v7 =	vld [tilespmem:s18+$0xFFFFFFD0]  }
0xdd: {  	v12 =	vld [tilespmem:s18+$0xFFFFFF90];
	v4 =	vtrunc.f32 v4  }
0xde: {  	v13 =	vld [tilespmem:s15+$0xFFFFFF90];
	v9 =	vmul.f32 $1.600000000e+01, v9;
	v4 =	vcvt.f32.s32 v4  }
0xdf: {  	v14 =	vld [tilespmem:s15+$0xFFFFFFB0];
	v10 =	vmul.f32 $1.600000000e+01, v10  }
0xe0: {  	v15 =	vld [tilespmem:s15+$0xFFFFFFD0];
	v9 =	vadd.f32 v11, v9;
	v4 =	vshll.u32 v4, $0x7  }
0xe1: {  	v7 =	vmul.f32 $1.600000000e+01, v7;
	[tilespmem:v3+s23+$0x0] =	vst.idx.add.f32.msk $0xffff, v2;
	v3 =	vor.u32 v1, v4  }
0xe2: {  	v4 =	vmul.f32 $1.600000000e+01, v12;
	v9 =	vtrunc.f32 v9;
	v11 =	vld [tilespmem:s14+$0xFFFFFFA0]  }
0xe3: {  	v9 =	vcvt.f32.s32 v9;
	v12 =	vld [tilespmem:s14+$0xFFFFFFC0]  }
0xe4: {  	v4 =	vadd.f32 v13, v4;
	v10 =	vadd.f32 v14, v10;
	v13 =	vld [tilespmem:s14+$0xFFFFFFE0];
	s14 =	smov.u32 s18  }
0xe5: {  	v7 =	vadd.f32 v15, v7;
	v9 =	vshll.u32 v9, $0x7;
	v14 =	vld [tilespmem:s16+$0xFFFFFFA0]  }
0xe6: {  	v4 =	vtrunc.f32 v4;
	v10 =	vtrunc.f32 v10;
	v9 =	vor.u32 v1, v9;
	[tilespmem:v3+s24+$0x0] =	vst.idx.add.f32.msk $0xffff, v2  }
0xe7: {  	v3 =	vcvt.f32.s32 v4;
	v4 =	vtrunc.f32 v7;
	v7 =	vld [tilespmem:s16+$0xFFFFFFC0]  }
0xe8: {  	v10 =	vcvt.f32.s32 v10;
	v4 =	vcvt.f32.s32 v4;
	v15 =	vld [tilespmem:s16+$0xFFFFFFE0];
	s16 =	smov.u32 s15  }
0xe9: {  	v11 =	vmul.f32 $1.600000000e+01, v11;
	v12 =	vmul.f32 $1.600000000e+01, v12;
	v3 =	vshll.u32 v3, $0x7;
	[tilespmem:v8+s24+$0x0] =	vst.idx.add.f32.msk $0xffff, v2  }
0xea: {  	v8 =	vor.u32 v1, v3;
	v3 =	vshll.u32 v10, $0x7;
	v4 =	vshll.u32 v4, $0x7;
	[tilespmem:v5+s24+$0x0] =	vst.idx.add.f32.msk $0xffff, v2  }
0xeb: {  	v10 =	vor.u32 v1, v3;
	v3 =	vor.u32 v1, v4;
	[tilespmem:v9+s23+$0x0] =	vst.idx.add.f32.msk $0xffff, v2;
	v4 =	vmul.f32 $1.600000000e+01, v13  }
.Ltmp2:
0xec: {  	v9 =	vadd.f32 v14, v11;
	v5 =	vld [tilespmem:s18+$0x0];
	v7 =	vadd.f32 v7, v12;
	(pc) =	sbr.rel @p0 .LBB2_6-.Ltmp2, $4  }
0xed: {  	v11 =	vadd.f32 v15, v4;
	[tilespmem:v6+s24+$0x0] =	vst.idx.add.f32.msk $0xffff, v2  }
0xee: {  	v6 =	vtrunc.f32 v9;
	v4 =	vld [tilespmem:s15+$0x0];
	v7 =	vtrunc.f32 v7  }
0xef: {  	[tilespmem:v8+s23+$0x0] =	vst.idx.add.f32.msk $0xffff, v2;
	v8 =	vcvt.f32.s32 v6;
	v6 =	vtrunc.f32 v11  }
0xf0: {  	s18 =	sadd.s32 $0x80, s18;
	v7 =	vcvt.f32.s32 v7;
	[tilespmem:v10+s23+$0x0] =	vst.idx.add.f32.msk $0xffff, v2;
	v6 =	vcvt.f32.s32 v6  }
0xf1: {  	_ =	sdelay $0x3  }
0xf2: {  	[tilespmem:v3+s23+$0x0] =	vst.idx.add.f32.msk $0xffff, v2  }
0xf3: {  	v3 =	vld [tilespmem:s14+$0xFFFFFFA0]  }
0xf4: {  	v9 =	vld [tilespmem:s14+$0xFFFFFFC0]  }
0xf5: {  	v5 =	vmul.f32 $1.600000000e+01, v5;
	v11 =	vld [tilespmem:s16+$0xFFFFFFA0]  }
0xf6: {  	v10 =	vld [tilespmem:s14+$0xFFFFFFE0]  }
0xf7: {  	v4 =	vadd.f32 v4, v5;
	v5 =	vld [tilespmem:s16+$0xFFFFFFC0]  }
0xf8: {  	v12 =	vld [tilespmem:s16+$0xFFFFFFE0]  }
0xf9: {  	v4 =	vtrunc.f32 v4;
	v3 =	vmul.f32 $1.600000000e+01, v3  }
0xfa: {  	v8 =	vshll.u32 v8, $0x7;
	v4 =	vcvt.f32.s32 v4;
	v9 =	vmul.f32 $1.600000000e+01, v9  }
0xfb: {  	v8 =	vor.u32 v1, v8;
	v10 =	vmul.f32 $1.600000000e+01, v10;
	v3 =	vadd.f32 v11, v3  }
0xfc: {  	v7 =	vshll.u32 v7, $0x7;
	v4 =	vshll.u32 v4, $0x7;
	v5 =	vadd.f32 v5, v9  }
0xfd: {  	v4 =	vor.u32 v1, v4;
	v9 =	vadd.f32 v12, v10;
	v3 =	vtrunc.f32 v3  }
0xfe: {  	v6 =	vshll.u32 v6, $0x7;
	v5 =	vtrunc.f32 v5;
	v3 =	vcvt.f32.s32 v3  }
0xff: {  	v7 =	vor.u32 v1, v7;
	v9 =	vtrunc.f32 v9;
	v5 =	vcvt.f32.s32 v5  }
0x100: {  	v6 =	vor.u32 v1, v6;
	v9 =	vcvt.f32.s32 v9;
	v3 =	vshll.u32 v3, $0x7  }
0x101: {  	v5 =	vshll.u32 v5, $0x7;
	v3 =	vor.u32 v1, v3  }
0x102: {  	[tilespmem:v4+s24+$0x0] =	vst.idx.add.f32.msk $0xffff, v2;
	v4 =	vshll.u32 v9, $0x7;
	v5 =	vor.u32 v1, v5  }
0x103: {  	[tilespmem:v8+s24+$0x0] =	vst.idx.add.f32.msk $0xffff, v2;
	v4 =	vor.u32 v1, v4  }
0x104: {  	[tilespmem:v7+s24+$0x0] =	vst.idx.add.f32.msk $0xffff, v2  }
0x105: {  	[tilespmem:v6+s24+$0x0] =	vst.idx.add.f32.msk $0xffff, v2  }
0x106: {  	[tilespmem:v3+s24+$0x0] =	vst.idx.add.f32.msk $0xffff, v2  }
0x107: {  	[tilespmem:v5+s24+$0x0] =	vst.idx.add.f32.msk $0xffff, v2  }
0x108: {  	[tilespmem:v4+s24+$0x0] =	vst.idx.add.f32.msk $0xffff, v2  }
0x109: {  	_ =	swait.ge [sflag:s28], $0x2000  }
0x10a: {  	[sflag:s28] =	ssyncset.done $0x0  }
0x10b: {  	[sflag:s28] =	ssyncadd.s32 $0xFFFFE000  }
0x10c: {  	_ =	swait.ge [sflag:s29], $0x2000  }
0x10d: {  	[sflag:s29] =	ssyncset.done $0x0  }
0x10e: {  	s15 =	simm.s32 $0x0;
	[sflag:s29] =	ssyncadd.s32 $0xFFFFE000  }
0x10f: {  	v3 =	vld [tilespmem:s15+$0x4060];
	_ =	sdelay $0x1  }
0x110: {  	v4 =	vld [tilespmem:s15+$0xC060]  }
0x111: {  	v5 =	vld [tilespmem:s15+$0x4000]  }
0x112: {  	v6 =	vld [tilespmem:s15+$0x4020]  }
0x113: {  	v7 =	vld [tilespmem:s15+$0xC000];
	v3 =	vmul.f32 $1.600000000e+01, v3  }
0x114: {  	v8 =	vld [tilespmem:s15+$0xC020]  }
0x115: {  	v3 =	vadd.f32 v4, v3  }
0x116: {  	v4 =	vmul.f32 $1.600000000e+01, v5  }
0x117: {  	v5 =	vmul.f32 $1.600000000e+01, v6;
	v3 =	vtrunc.f32 v3  }
0x118: {  	v4 =	vadd.f32 v7, v4;
	v3 =	vcvt.f32.s32 v3  }
0x119: {  	v5 =	vadd.f32 v8, v5  }
0x11a: {  	v4 =	vtrunc.f32 v4;
	v3 =	vshll.u32 v3, $0x7  }
0x11b: {  	v6 =	vld [tilespmem:s15+$0x4040];
	v5 =	vtrunc.f32 v5;
	v4 =	vcvt.f32.s32 v4;
	v3 =	vor.u32 v1, v3  }
0x11c: {  	v5 =	vcvt.f32.s32 v5  }
0x11d: {  	v7 =	vld [tilespmem:s15+$0xC040];
	v4 =	vshll.u32 v4, $0x7  }
0x11e: {  	v5 =	vshll.u32 v5, $0x7;
	v4 =	vor.u32 v1, v4  }
0x11f: {  	v5 =	vor.u32 v1, v5  }
0x120: {  	v6 =	vmul.f32 $1.600000000e+01, v6;
	[tilespmem:v3+s23+$0x0] =	vst.idx.add.f32.msk $0xffff, v2  }
0x121: {  	v3 =	vld [tilespmem:s15+$0x4070]  }
0x122: {  	v6 =	vadd.f32 v7, v6;
	v7 =	vld [tilespmem:s15+$0xC070]  }
0x123: {  	[tilespmem:v4+s23+$0x0] =	vst.idx.add.f32.msk $0xffff, v2  }
0x124: {  	s14 =	simm.s32 $0x80;
	[tilespmem:v5+s23+$0x0] =	vst.idx.add.f32.msk $0xffff, v2  }
0x125: {  	v4 =	vtrunc.f32 v6;
	v5 =	vld [tilespmem:s14+$0x4060]  }
0x126: {  	v8 =	vld [tilespmem:s14+$0xC060];
	v4 =	vcvt.f32.s32 v4  }
0x127: {  	v6 =	vld [tilespmem:s14+$0x4000]  }
0x128: {  	v9 =	vld [tilespmem:s14+$0x4020];
	v4 =	vshll.u32 v4, $0x7;
	v3 =	vmul.f32 $1.600000000e+01, v3  }
0x129: {  	v10 =	vld [tilespmem:s14+$0x4040];
	v4 =	vor.u32 v1, v4  }
0x12a: {  	v5 =	vmul.f32 $1.600000000e+01, v5;
	v3 =	vadd.f32 v7, v3;
	v7 =	vld [tilespmem:s14+$0xC000]  }
0x12b: {  	v11 =	vld [tilespmem:s14+$0xC020]  }
0x12c: {  	v61 =	vld [tilespmem:s14+$0xC040];
	v6 =	vmul.f32 $1.600000000e+01, v6;
	v5 =	vadd.f32 v8, v5  }
0x12d: {  	v13 =	vld [tilespmem:s15+$0xC010];
	v8 =	vmul.f32 $1.600000000e+01, v9;
	v3 =	vtrunc.f32 v3  }
0x12e: {  	v3 =	vcvt.f32.s32 v3;
	[tilespmem:v4+s23+$0x0] =	vst.idx.add.f32.msk $0xffff, v2;
	v4 =	vtrunc.f32 v5  }
0x12f: {  	v5 =	vld [tilespmem:s15+$0x4010];
	v4 =	vcvt.f32.s32 v4;
	v6 =	vadd.f32 v7, v6  }
0x130: {  	v8 =	vadd.f32 v11, v8;
	v3 =	vshll.u32 v3, $0x7;
	v7 =	vld [tilespmem:s15+$0x4030]  }
0x131: {  	v9 =	vld [tilespmem:s15+$0x4050];
	v3 =	vor.u32 v1, v3;
	v4 =	vshll.u32 v4, $0x7;
	v6 =	vtrunc.f32 v6  }
0x132: {  	v4 =	vor.u32 v1, v4;
	v6 =	vcvt.f32.s32 v6  }
0x133: {  	v10 =	vmul.f32 $1.600000000e+01, v10;
	v11 =	vld [tilespmem:s15+$0xC030];
	v8 =	vtrunc.f32 v8  }
0x134: {  	v62 =	vld [tilespmem:s15+$0xC050];
	v8 =	vcvt.f32.s32 v8;
	v5 =	vmul.f32 $1.600000000e+01, v5;
	v6 =	vshll.u32 v6, $0x7  }
0x135: {  	v10 =	vadd.f32 v61, v10;
	v14 =	vor.u32 v1, v6;
	v6 =	vmul.f32 $1.600000000e+01, v7  }
0x136: {  	[tilespmem:v3+s24+$0x0] =	vst.idx.add.f32.msk $0xffff, v2;
	v7 =	vmul.f32 $1.600000000e+01, v9;
	v9 =	vadd.f32 v13, v5;
	v5 =	vshll.u32 v8, $0x7  }
0x137: {  	v3 =	vtrunc.f32 v10;
	[tilespmem:v4+s23+$0x0] =	vst.idx.add.f32.msk $0xffff, v2;
	v5 =	vor.u32 v1, v5  }
0x138: {  	v3 =	vcvt.f32.s32 v3;
	v10 =	vadd.f32 v11, v6;
	v6 =	vld [tilespmem:s14+$0x4070]  }
0x139: {  	v8 =	vtrunc.f32 v9;
	v9 =	vadd.f32 v62, v7  }
0x13a: {  	v4 =	vld [tilespmem:s14+$0xC070];
	v3 =	vshll.u32 v3, $0x7;
	v8 =	vcvt.f32.s32 v8;
	v7 =	vtrunc.f32 v10  }
0x13b: {  	s16 =	simm.s32 $0x400;
	s15 =	simm.s32 $0x204;
	v3 =	vor.u32 v1, v3;
	v9 =	vtrunc.f32 v9;
	[tilespmem:v14+s23+$0x0] =	vst.idx.add.f32.msk $0xffff, v2;
	v7 =	vcvt.f32.s32 v7  }
.LBB2_8:
0x13c: {  	s17 =	sshra.s32 s16, $0x2;
	s15 =	sadd.s32 $0x4, s15;
	[tilespmem:v5+s23+$0x0] =	vst.idx.add.f32.msk $0xffff, v2;
	v5 =	vshll.u32 v8, $0x7;
	v8 =	vcvt.f32.s32 v9  }
0x13d: {  	v9 =	vld [tilespmem:s17+$0x4060];
	p0 =	slt.u32 s15, $0x2FC;
	v6 =	vmul.f32 $1.600000000e+01, v6;
	v5 =	vor.u32 v1, v5;
	v7 =	vshll.u32 v7, $0x7  }
0x13e: {  	v10 =	vld [tilespmem:s17+$0x4000];
	v7 =	vor.u32 v1, v7;
	v8 =	vshll.u32 v8, $0x7  }
0x13f: {  	v11 =	vld [tilespmem:s17+$0xC060];
	v4 =	vadd.f32 v4, v6;
	v8 =	vor.u32 v1, v8  }
0x140: {  	v6 =	vld [tilespmem:s17+$0x4020]  }
0x141: {  	v12 =	vld [tilespmem:s17+$0x4040];
	v4 =	vtrunc.f32 v4  }
0x142: {  	v13 =	vld [tilespmem:s17+$0xC000];
	v9 =	vmul.f32 $1.600000000e+01, v9;
	v4 =	vcvt.f32.s32 v4  }
0x143: {  	v10 =	vmul.f32 $1.600000000e+01, v10;
	v14 =	vld [tilespmem:s17+$0xC020]  }
0x144: {  	v15 =	vld [tilespmem:s17+$0xC040];
	v9 =	vadd.f32 v11, v9;
	v4 =	vshll.u32 v4, $0x7  }
0x145: {  	v6 =	vmul.f32 $1.600000000e+01, v6;
	[tilespmem:v3+s23+$0x0] =	vst.idx.add.f32.msk $0xffff, v2;
	v3 =	vor.u32 v1, v4  }
0x146: {  	v4 =	vmul.f32 $1.600000000e+01, v12;
	v9 =	vtrunc.f32 v9;
	v11 =	vld [tilespmem:s14+$0x4010]  }
0x147: {  	v10 =	vadd.f32 v13, v10;
	v9 =	vcvt.f32.s32 v9;
	v12 =	vld [tilespmem:s14+$0x4030]  }
0x148: {  	v6 =	vadd.f32 v14, v6;
	v13 =	vld [tilespmem:s14+$0x4050]  }
0x149: {  	v10 =	vtrunc.f32 v10;
	v4 =	vadd.f32 v15, v4;
	v9 =	vshll.u32 v9, $0x7;
	v14 =	vld [tilespmem:s14+$0xC010]  }
0x14a: {  	v10 =	vcvt.f32.s32 v10;
	v6 =	vtrunc.f32 v6;
	v9 =	vor.u32 v1, v9;
	[tilespmem:v3+s24+$0x0] =	vst.idx.add.f32.msk $0xffff, v2  }
0x14b: {  	v3 =	vcvt.f32.s32 v6;
	v4 =	vtrunc.f32 v4;
	v15 =	vld [tilespmem:s14+$0xC030]  }
0x14c: {  	v6 =	vshll.u32 v10, $0x7;
	v4 =	vcvt.f32.s32 v4;
	v10 =	vmul.f32 $1.600000000e+01, v11;
	v11 =	vld [tilespmem:s14+$0xC050];
	s14 =	smov.u32 s17  }
0x14d: {  	v12 =	vmul.f32 $1.600000000e+01, v12;
	v16 =	vor.u32 v1, v6;
	v3 =	vshll.u32 v3, $0x7;
	[tilespmem:v5+s24+$0x0] =	vst.idx.add.f32.msk $0xffff, v2  }
0x14e: {  	v5 =	vor.u32 v1, v3;
	v3 =	vshll.u32 v4, $0x7;
	v4 =	vmul.f32 $1.600000000e+01, v13;
	[tilespmem:v7+s24+$0x0] =	vst.idx.add.f32.msk $0xffff, v2  }
.Ltmp3:
0x14f: {  	v7 =	vadd.f32 v14, v10;
	v3 =	vor.u32 v1, v3;
	[tilespmem:v9+s23+$0x0] =	vst.idx.add.f32.msk $0xffff, v2;
	(pc) =	sbr.rel @p0 .LBB2_8-.Ltmp3, $4  }
0x150: {  	v6 =	vld [tilespmem:s14+$0x4070];
	v9 =	vadd.f32 v15, v12  }
0x151: {  	v7 =	vtrunc.f32 v7;
	v10 =	vadd.f32 v11, v4;
	[tilespmem:v8+s24+$0x0] =	vst.idx.add.f32.msk $0xffff, v2  }
0x152: {  	v8 =	vcvt.f32.s32 v7;
	v4 =	vld [tilespmem:s14+$0xC070];
	v7 =	vtrunc.f32 v9  }
0x153: {  	s16 =	sadd.s32 $0x200, s16;
	[tilespmem:v16+s23+$0x0] =	vst.idx.add.f32.msk $0xffff, v2;
	v7 =	vcvt.f32.s32 v7;
	v9 =	vtrunc.f32 v10  }
0x154: {  	_ =	sdelay $0x3  }
0x155: {  	[tilespmem:v5+s23+$0x0] =	vst.idx.add.f32.msk $0xffff, v2  }
0x156: {  	[tilespmem:v3+s23+$0x0] =	vst.idx.add.f32.msk $0xffff, v2  }
0x157: {  	v3 =	vld [tilespmem:s14+$0x4010]  }
0x158: {  	v11 =	vld [tilespmem:s14+$0xC010]  }
0x159: {  	v5 =	vld [tilespmem:s14+$0x4030];
	v6 =	vmul.f32 $1.600000000e+01, v6  }
0x15a: {  	v10 =	vld [tilespmem:s14+$0x4050]  }
0x15b: {  	v4 =	vadd.f32 v4, v6;
	v6 =	vld [tilespmem:s14+$0xC030]  }
0x15c: {  	v9 =	vcvt.f32.s32 v9;
	v12 =	vld [tilespmem:s14+$0xC050]  }
0x15d: {  	v4 =	vtrunc.f32 v4;
	v3 =	vmul.f32 $1.600000000e+01, v3  }
0x15e: {  	v8 =	vshll.u32 v8, $0x7;
	v4 =	vcvt.f32.s32 v4;
	v5 =	vmul.f32 $1.600000000e+01, v5  }
0x15f: {  	v8 =	vor.u32 v1, v8;
	v10 =	vmul.f32 $1.600000000e+01, v10;
	v3 =	vadd.f32 v11, v3  }
0x160: {  	v7 =	vshll.u32 v7, $0x7;
	v4 =	vshll.u32 v4, $0x7;
	v5 =	vadd.f32 v6, v5  }
0x161: {  	v6 =	vadd.f32 v12, v10;
	v4 =	vor.u32 v1, v4;
	v3 =	vtrunc.f32 v3  }
0x162: {  	v7 =	vor.u32 v1, v7;
	v3 =	vcvt.f32.s32 v3;
	v5 =	vtrunc.f32 v5  }
0x163: {  	v9 =	vshll.u32 v9, $0x7;
	v6 =	vtrunc.f32 v6;
	v5 =	vcvt.f32.s32 v5  }
0x164: {  	v9 =	vor.u32 v1, v9;
	v6 =	vcvt.f32.s32 v6;
	v3 =	vshll.u32 v3, $0x7  }
0x165: {  	v3 =	vor.u32 v1, v3;
	v5 =	vshll.u32 v5, $0x7  }
0x166: {  	[tilespmem:v4+s24+$0x0] =	vst.idx.add.f32.msk $0xffff, v2;
	v4 =	vor.u32 v1, v5;
	v5 =	vshll.u32 v6, $0x7  }
0x167: {  	[tilespmem:v8+s24+$0x0] =	vst.idx.add.f32.msk $0xffff, v2;
	v5 =	vor.u32 v1, v5  }
0x168: {  	[tilespmem:v7+s24+$0x0] =	vst.idx.add.f32.msk $0xffff, v2  }
0x169: {  	[tilespmem:v9+s24+$0x0] =	vst.idx.add.f32.msk $0xffff, v2  }
0x16a: {  	[tilespmem:v3+s24+$0x0] =	vst.idx.add.f32.msk $0xffff, v2  }
0x16b: {  	[tilespmem:v4+s24+$0x0] =	vst.idx.add.f32.msk $0xffff, v2  }
0x16c: {  	[tilespmem:v5+s24+$0x0] =	vst.idx.add.f32.msk $0xffff, v2  }
0x16d: {  	_ =	swait.ge [sflag:s30], $0x2000  }
0x16e: {  	[sflag:s30] =	ssyncset.done $0x0  }
0x16f: {  	[sflag:s30] =	ssyncadd.s32 $0xFFFFE000  }
0x170: {  	_ =	swait.ge [sflag:s31], $0x2000  }
0x171: {  	[sflag:s31] =	ssyncset.done $0x0  }
0x172: {  	s15 =	simm.s32 $0x0;
	[sflag:s31] =	ssyncadd.s32 $0xFFFFE000  }
0x173: {  	v3 =	vld [tilespmem:s15+$0x6060];
	_ =	sdelay $0x1  }
0x174: {  	v4 =	vld [tilespmem:s15+$0xE060]  }
0x175: {  	v5 =	vld [tilespmem:s15+$0x6000]  }
0x176: {  	v6 =	vld [tilespmem:s15+$0x6020]  }
0x177: {  	v7 =	vld [tilespmem:s15+$0xE000];
	v3 =	vmul.f32 $1.600000000e+01, v3  }
0x178: {  	v8 =	vld [tilespmem:s15+$0xE020]  }
0x179: {  	v3 =	vadd.f32 v4, v3  }
0x17a: {  	v4 =	vmul.f32 $1.600000000e+01, v5  }
0x17b: {  	v5 =	vmul.f32 $1.600000000e+01, v6;
	v3 =	vtrunc.f32 v3  }
0x17c: {  	v4 =	vadd.f32 v7, v4;
	v3 =	vcvt.f32.s32 v3  }
0x17d: {  	v5 =	vadd.f32 v8, v5  }
0x17e: {  	v4 =	vtrunc.f32 v4;
	v3 =	vshll.u32 v3, $0x7  }
0x17f: {  	v6 =	vld [tilespmem:s15+$0x6040];
	v5 =	vtrunc.f32 v5;
	v4 =	vcvt.f32.s32 v4;
	v3 =	vor.u32 v1, v3  }
0x180: {  	v5 =	vcvt.f32.s32 v5  }
0x181: {  	v7 =	vld [tilespmem:s15+$0xE040];
	v4 =	vshll.u32 v4, $0x7  }
0x182: {  	v5 =	vshll.u32 v5, $0x7;
	v4 =	vor.u32 v1, v4  }
0x183: {  	v5 =	vor.u32 v1, v5  }
0x184: {  	v6 =	vmul.f32 $1.600000000e+01, v6;
	[tilespmem:v3+s23+$0x0] =	vst.idx.add.f32.msk $0xffff, v2  }
0x185: {  	v3 =	vld [tilespmem:s15+$0x6070]  }
0x186: {  	v6 =	vadd.f32 v7, v6;
	v7 =	vld [tilespmem:s15+$0xE070]  }
0x187: {  	[tilespmem:v4+s23+$0x0] =	vst.idx.add.f32.msk $0xffff, v2  }
0x188: {  	s14 =	simm.s32 $0x80;
	[tilespmem:v5+s23+$0x0] =	vst.idx.add.f32.msk $0xffff, v2  }
0x189: {  	v4 =	vtrunc.f32 v6;
	v5 =	vld [tilespmem:s14+$0x6060]  }
0x18a: {  	v8 =	vld [tilespmem:s14+$0xE060];
	v4 =	vcvt.f32.s32 v4  }
0x18b: {  	v6 =	vld [tilespmem:s14+$0x6000]  }
0x18c: {  	v9 =	vld [tilespmem:s14+$0x6020];
	v4 =	vshll.u32 v4, $0x7;
	v3 =	vmul.f32 $1.600000000e+01, v3  }
0x18d: {  	v10 =	vld [tilespmem:s14+$0x6040];
	v4 =	vor.u32 v1, v4  }
0x18e: {  	v5 =	vmul.f32 $1.600000000e+01, v5;
	v3 =	vadd.f32 v7, v3;
	v7 =	vld [tilespmem:s14+$0xE000]  }
0x18f: {  	v11 =	vld [tilespmem:s14+$0xE020]  }
0x190: {  	v61 =	vld [tilespmem:s14+$0xE040];
	v6 =	vmul.f32 $1.600000000e+01, v6;
	v5 =	vadd.f32 v8, v5  }
0x191: {  	v13 =	vld [tilespmem:s15+$0xE010];
	v8 =	vmul.f32 $1.600000000e+01, v9;
	v3 =	vtrunc.f32 v3  }
0x192: {  	v3 =	vcvt.f32.s32 v3;
	[tilespmem:v4+s23+$0x0] =	vst.idx.add.f32.msk $0xffff, v2;
	v4 =	vtrunc.f32 v5  }
0x193: {  	v5 =	vld [tilespmem:s15+$0x6010];
	v4 =	vcvt.f32.s32 v4;
	v6 =	vadd.f32 v7, v6  }
0x194: {  	v8 =	vadd.f32 v11, v8;
	v3 =	vshll.u32 v3, $0x7;
	v7 =	vld [tilespmem:s15+$0x6030]  }
0x195: {  	v9 =	vld [tilespmem:s15+$0x6050];
	v3 =	vor.u32 v1, v3;
	v4 =	vshll.u32 v4, $0x7;
	v6 =	vtrunc.f32 v6  }
0x196: {  	v4 =	vor.u32 v1, v4;
	v6 =	vcvt.f32.s32 v6  }
0x197: {  	v10 =	vmul.f32 $1.600000000e+01, v10;
	v11 =	vld [tilespmem:s15+$0xE030];
	v8 =	vtrunc.f32 v8  }
0x198: {  	v62 =	vld [tilespmem:s15+$0xE050];
	v8 =	vcvt.f32.s32 v8;
	v5 =	vmul.f32 $1.600000000e+01, v5;
	v6 =	vshll.u32 v6, $0x7  }
0x199: {  	v10 =	vadd.f32 v61, v10;
	v14 =	vor.u32 v1, v6;
	v6 =	vmul.f32 $1.600000000e+01, v7  }
0x19a: {  	[tilespmem:v3+s24+$0x0] =	vst.idx.add.f32.msk $0xffff, v2;
	v7 =	vmul.f32 $1.600000000e+01, v9;
	v9 =	vadd.f32 v13, v5;
	v5 =	vshll.u32 v8, $0x7  }
0x19b: {  	v3 =	vtrunc.f32 v10;
	[tilespmem:v4+s23+$0x0] =	vst.idx.add.f32.msk $0xffff, v2;
	v5 =	vor.u32 v1, v5  }
0x19c: {  	v3 =	vcvt.f32.s32 v3;
	v10 =	vadd.f32 v11, v6;
	v6 =	vld [tilespmem:s14+$0x6070]  }
0x19d: {  	v8 =	vtrunc.f32 v9;
	v9 =	vadd.f32 v62, v7  }
0x19e: {  	v4 =	vld [tilespmem:s14+$0xE070];
	v3 =	vshll.u32 v3, $0x7;
	v8 =	vcvt.f32.s32 v8;
	v7 =	vtrunc.f32 v10  }
0x19f: {  	s16 =	simm.s32 $0x400;
	s15 =	simm.s32 $0x304;
	v3 =	vor.u32 v1, v3;
	v9 =	vtrunc.f32 v9;
	[tilespmem:v14+s23+$0x0] =	vst.idx.add.f32.msk $0xffff, v2;
	v7 =	vcvt.f32.s32 v7  }
.LBB2_10:
0x1a0: {  	s17 =	sshra.s32 s16, $0x2;
	s15 =	sadd.s32 $0x4, s15;
	[tilespmem:v5+s23+$0x0] =	vst.idx.add.f32.msk $0xffff, v2;
	v5 =	vshll.u32 v8, $0x7;
	v8 =	vcvt.f32.s32 v9  }
0x1a1: {  	v9 =	vld [tilespmem:s17+$0x6060];
	p0 =	slt.u32 s15, $0x3FC;
	v6 =	vmul.f32 $1.600000000e+01, v6;
	v5 =	vor.u32 v1, v5;
	v7 =	vshll.u32 v7, $0x7  }
0x1a2: {  	v10 =	vld [tilespmem:s17+$0x6000];
	v7 =	vor.u32 v1, v7;
	v8 =	vshll.u32 v8, $0x7  }
0x1a3: {  	v11 =	vld [tilespmem:s17+$0xE060];
	v4 =	vadd.f32 v4, v6;
	v8 =	vor.u32 v1, v8  }
0x1a4: {  	v6 =	vld [tilespmem:s17+$0x6020]  }
0x1a5: {  	v12 =	vld [tilespmem:s17+$0x6040];
	v4 =	vtrunc.f32 v4  }
0x1a6: {  	v13 =	vld [tilespmem:s17+$0xE000];
	v9 =	vmul.f32 $1.600000000e+01, v9;
	v4 =	vcvt.f32.s32 v4  }
0x1a7: {  	v10 =	vmul.f32 $1.600000000e+01, v10;
	v14 =	vld [tilespmem:s17+$0xE020]  }
0x1a8: {  	v15 =	vld [tilespmem:s17+$0xE040];
	v9 =	vadd.f32 v11, v9;
	v4 =	vshll.u32 v4, $0x7  }
0x1a9: {  	v6 =	vmul.f32 $1.600000000e+01, v6;
	[tilespmem:v3+s23+$0x0] =	vst.idx.add.f32.msk $0xffff, v2;
	v3 =	vor.u32 v1, v4  }
0x1aa: {  	v4 =	vmul.f32 $1.600000000e+01, v12;
	v9 =	vtrunc.f32 v9;
	v11 =	vld [tilespmem:s14+$0x6010]  }
0x1ab: {  	v10 =	vadd.f32 v13, v10;
	v9 =	vcvt.f32.s32 v9;
	v12 =	vld [tilespmem:s14+$0x6030]  }
0x1ac: {  	v6 =	vadd.f32 v14, v6;
	v13 =	vld [tilespmem:s14+$0x6050]  }
0x1ad: {  	v10 =	vtrunc.f32 v10;
	v4 =	vadd.f32 v15, v4;
	v9 =	vshll.u32 v9, $0x7;
	v14 =	vld [tilespmem:s14+$0xE010]  }
0x1ae: {  	v10 =	vcvt.f32.s32 v10;
	v6 =	vtrunc.f32 v6;
	v9 =	vor.u32 v1, v9;
	[tilespmem:v3+s24+$0x0] =	vst.idx.add.f32.msk $0xffff, v2  }
0x1af: {  	v3 =	vcvt.f32.s32 v6;
	v4 =	vtrunc.f32 v4;
	v15 =	vld [tilespmem:s14+$0xE030]  }
0x1b0: {  	v6 =	vshll.u32 v10, $0x7;
	v4 =	vcvt.f32.s32 v4;
	v10 =	vmul.f32 $1.600000000e+01, v11;
	v11 =	vld [tilespmem:s14+$0xE050];
	s14 =	smov.u32 s17  }
0x1b1: {  	v12 =	vmul.f32 $1.600000000e+01, v12;
	v16 =	vor.u32 v1, v6;
	v3 =	vshll.u32 v3, $0x7;
	[tilespmem:v5+s24+$0x0] =	vst.idx.add.f32.msk $0xffff, v2  }
0x1b2: {  	v5 =	vor.u32 v1, v3;
	v3 =	vshll.u32 v4, $0x7;
	v4 =	vmul.f32 $1.600000000e+01, v13;
	[tilespmem:v7+s24+$0x0] =	vst.idx.add.f32.msk $0xffff, v2  }
.Ltmp4:
0x1b3: {  	v7 =	vadd.f32 v14, v10;
	v3 =	vor.u32 v1, v3;
	[tilespmem:v9+s23+$0x0] =	vst.idx.add.f32.msk $0xffff, v2;
	(pc) =	sbr.rel @p0 .LBB2_10-.Ltmp4, $4  }
0x1b4: {  	v6 =	vld [tilespmem:s14+$0x6070];
	v9 =	vadd.f32 v15, v12  }
0x1b5: {  	v7 =	vtrunc.f32 v7;
	v10 =	vadd.f32 v11, v4;
	[tilespmem:v8+s24+$0x0] =	vst.idx.add.f32.msk $0xffff, v2  }
0x1b6: {  	v8 =	vcvt.f32.s32 v7;
	v4 =	vld [tilespmem:s14+$0xE070];
	v7 =	vtrunc.f32 v9  }
0x1b7: {  	s16 =	sadd.s32 $0x200, s16;
	[tilespmem:v16+s23+$0x0] =	vst.idx.add.f32.msk $0xffff, v2;
	v7 =	vcvt.f32.s32 v7;
	v9 =	vtrunc.f32 v10  }
0x1b8: {  	_ =	sdelay $0x3  }
0x1b9: {  	[tilespmem:v5+s23+$0x0] =	vst.idx.add.f32.msk $0xffff, v2  }
0x1ba: {  	v54 =	vld [tilespmem:s14+$0x6010]  }
0x1bb: {  	[tilespmem:v3+s23+$0x0] =	vst.idx.add.f32.msk $0xffff, v2  }
0x1bc: {  	v3 =	vld [tilespmem:s14+$0xE010]  }
0x1bd: {  	v10 =	vld [tilespmem:s14+$0x6030]  }
0x1be: {  	v11 =	vld [tilespmem:s14+$0x6050]  }
0x1bf: {  	v55 =	vld [tilespmem:s14+$0xE030]  }
0x1c0: {  	v56 =	vshll.u32 v8, $0x7;
	v6 =	vmul.f32 $1.600000000e+01, v6;
	v12 =	vld [tilespmem:s14+$0xE050]  }
0x1c1: {  	v9 =	vcvt.f32.s32 v9;
	v7 =	vshll.u32 v7, $0x7;
	v5 =	vmul.f32 $1.600000000e+01, v54  }
0x1c2: {  	v7 =	vor.u32 v1, v7;
	v4 =	vadd.f32 v4, v6;
	v57 =	vmul.f32 $1.600000000e+01, v10  }
0x1c3: {  	v9 =	vshll.u32 v9, $0x7;
	v58 =	vmul.f32 $1.600000000e+01, v11;
	v3 =	vadd.f32 v3, v5  }
0x1c4: {  	v9 =	vor.u32 v1, v9;
	v4 =	vtrunc.f32 v4;
	v6 =	vadd.f32 v55, v57  }
0x1c5: {  	v4 =	vcvt.f32.s32 v4;
	v59 =	vadd.f32 v12, v58;
	v3 =	vtrunc.f32 v3  }
0x1c6: {  	v5 =	vor.u32 v1, v56;
	v3 =	vcvt.f32.s32 v3;
	v6 =	vtrunc.f32 v6  }
0x1c7: {  	v4 =	vshll.u32 v4, $0x7;
	v8 =	vtrunc.f32 v59;
	v6 =	vcvt.f32.s32 v6  }
0x1c8: {  	v4 =	vor.u32 v1, v4;
	v8 =	vcvt.f32.s32 v8;
	v3 =	vshll.u32 v3, $0x7  }
0x1c9: {  	v3 =	vor.u32 v1, v3;
	v6 =	vshll.u32 v6, $0x7  }
0x1ca: {  	[tilespmem:v7+s24+$0x0] =	vst.idx.add.f32.msk $0xffff, v2;
	v61 =	vshll.u32 v8, $0x7;
	v60 =	vor.u32 v1, v6  }
0x1cb: {  	[tilespmem:v9+s24+$0x0] =	vst.idx.add.f32.msk $0xffff, v2;
	v62 =	vor.u32 v1, v61  }
0x1cc: {  	[tilespmem:v5+s24+$0x0] =	vst.idx.add.f32.msk $0xffff, v2  }
0x1cd: {  	[tilespmem:v4+s24+$0x0] =	vst.idx.add.f32.msk $0xffff, v2  }
0x1ce: {  	[tilespmem:v3+s24+$0x0] =	vst.idx.add.f32.msk $0xffff, v2  }
0x1cf: {  	[tilespmem:v60+s24+$0x0] =	vst.idx.add.f32.msk $0xffff, v2  }
0x1d0: {  	[tilespmem:v62+s24+$0x0] =	vst.idx.add.f32.msk $0xffff, v2  }
0x1d1: {  	[hbm4b:s11+s2] =	stream.linear.scatter [tilespmem:s23], [sflag:$0x9], $0x8000, $0x38;
	v63 =	vld [tilespmem:$0x0]  }
0x1d2: {  	s1 =	sadd.s32 $0x1, s1;
	_ =	swait.ge [sflag:s0], $0x8000  }
0x1d3: {  	p0 =	sne.s32 s1, s13;
	[sflag:s0] =	ssyncset.done $0x0  }
.Ltmp5:
0x1d4: {  	[sflag:s0] =	ssyncadd.s32 $0xFFFF8000;
	(pc) =	sbr.rel @p0 .LBB2_1-.Ltmp5, $4  }
0x1d5: {  	[hbm4b:s12+s2] =	stream.linear.scatter [tilespmem:s24], [sflag:$0x9], $0x8000, $0x38;
	v63 =	vld [tilespmem:$0x0]  }
0x1d6: {  	_ =	swait.ge [sflag:s0], $0x8000  }
0x1d7: {  	[sflag:s0] =	ssyncset.done $0x0  }
0x1d8: {  	[sflag:s0] =	ssyncadd.s32 $0xFFFF8000  }
0x1d9: {  	_ =	sfence.sel $0x180000  }
0x1da: {  	[bflag:$0x0] =	sbarrier.arrive $0xFFFF  }
0x1db: {  	_ =	strace $0x90000047  }
0x1dc: {  	s0 =	stileid.u32;
	[bflag:$0x2] =	sbarrier.arrive $0xFFFF  }
0x1dd: {  	p0 =	sne.s32 s0, $0x0;
	s0 =	rddreg [dreg:$0x1]  }
0x1de: {  	s0 =	sadd.s32 @!p0 $0x100000, s0  }
0x1df: {  	[sflag:s0] =	ssyncadd.tile.s32 @!p0 $0x1;
	_ =	shalt  }
.Lfunc_end2:
_tile_overlayer_lowered:
.L_overlay_start_2:
0x1e0: {  	(tag) =	ssettag $0x2  }
0x1e1: {  	s0 =	rddreg [dreg:$0x0];
	s2 =	stileid.u32  }
0x1e2: {  	s1 =	rddreg [dreg:$0x1];
	p0 =	sne.s32 s2, $0x0  }
0x1e3: {  	s3 =	rddreg [dreg:$0x2];
	[bflag:$0x3] =	sbarrier.arrive $0xFFFF;
	s2 =	simm.s32 @!p0 $0x1C09  }
0x1e4: {  	[timem:s3], [sflag:s2] =	dma.local @!p0 [hbm:s0], s1  }
0x1e5: {  	s0 =	simm.s32 @!p0 $0x9  }
0x1e6: {  	_ =	swait.ge @!p0 [sflag:s0], s1  }
0x1e7: {  	s1 =	ssub.s32 @!p0 $0x0, s1;
	[sflag:s0] =	ssyncset.done @!p0 $0x0  }
0x1e8: {  	[sflag:s0] =	ssyncadd.s32 @!p0 s1  }
0x1e9: {  	[bflag:$0x3] =	sbarrier.arrive $0xFFFF  }
0x1ea: {  	_ =	shalt  }

</sc_bundles>
